<compile_context>
chip_gen: v7x
topology: tpu7x:2x2x1
jax: 0.10.2.dev20260603
libtpu: 0.0.44.dev20260713+nightly
codegen_flags: <defaults>
</compile_context>

<pallas_src>
import dataclasses
import functools

import jax
import jax.numpy as jnp
from jax import lax
from jax.experimental import pallas as pl
from jax.experimental.pallas import tpu as pltpu
from jax.experimental.pallas import tpu_sc as plsc

NC = 2
NS = 16
EDGE_B = 64
NBUF = 3
ZROWS = 32
ROW_B = 1000


def _round_up(v, m):
    return (v + m - 1) // m * m


def _matmul_body(x_ref, w_ref, y_ref):
    y_ref[...] = lax.dot_general(
        x_ref[...], w_ref[...], (((1,), (0,)), ((), ())),
        precision=lax.Precision.HIGHEST,
        preferred_element_type=jnp.float32).astype(jnp.bfloat16)


def _self_body(x_ref, w_ref, b_ref, s_ref):
    s_ref[...] = lax.dot_general(
        x_ref[...], w_ref[...], (((1,), (0,)), ((), ())),
        precision=lax.Precision.HIGHEST,
        preferred_element_type=jnp.float32) + b_ref[...]


def _combine_body(p_ref, s_ref, o_ref):
    o_ref[...] = p_ref[0] + s_ref[...]


def _make_sc_segment_sum(n_acc, d, epw, half):
    per = n_acc // NS
    cap = epw + NBUF * EDGE_B
    dh = d // 2
    mesh = plsc.VectorSubcoreMesh(core_axis_name="c", subcore_axis_name="s")
    cp = pltpu.CompilerParams()
    for fld, val in (("needs_layout_passes", False),
                     ("use_tc_tiling_on_sc", False)):
        if fld in pltpu.CompilerParams.__dataclass_fields__:
            cp = dataclasses.replace(cp, **{fld: val})

    @functools.partial(
        pl.kernel,
        out_type=jax.ShapeDtypeStruct((NC, n_acc, d), jnp.float32),
        mesh=mesh,
        compiler_params=cp,
        scratch_types=[
            pltpu.VMEM((cap,), jnp.int32),
            pltpu.VMEM((cap,), jnp.int32),
            pltpu.VMEM((NBUF, EDGE_B), jnp.int32),
        ] + [pltpu.VMEM((EDGE_B, dh), jnp.int32) for _ in range(NBUF)] + [
            pltpu.VMEM((EDGE_B, d), jnp.float32) for _ in range(NBUF)] + [
            pltpu.VMEM((ZROWS, d), jnp.float32),
            pltpu.VMEM_SHARED((n_acc, d), jnp.float32),
        ] + [pltpu.SemaphoreType.DMA for _ in range(2 * NBUF)],
    )
    def sc_segsum(y_hbm, colv_hbm, rowv_hbm, out_hbm,
                  col_v, row_v, ridx2, *rest):
        gbufs = rest[:NBUF]
        fbufs = rest[NBUF:2 * NBUF]
        zbuf = rest[2 * NBUF]
        acc = rest[2 * NBUF + 1]
        gsems = rest[2 * NBUF + 2:3 * NBUF + 2]
        ssems = rest[3 * NBUF + 2:]
        cid = lax.axis_index("c")
        sid = lax.axis_index("s")
        lo = cid * half

        @pl.loop(0, ZROWS)
        def _(r):
            @pl.loop(0, d, step=16)
            def _(c):
                zbuf[r, pl.ds(c, 16)] = jnp.zeros((16,), jnp.float32)

        @pl.loop(0, per, step=ZROWS)
        def _(k):
            pltpu.sync_copy(zbuf, acc.at[pl.ds(sid * per + k, ZROWS)])

        pltpu.sync_copy(colv_hbm.at[pl.ds(sid * epw, epw)],
                        col_v.at[pl.ds(0, epw)])
        pltpu.sync_copy(rowv_hbm.at[pl.ds(sid * epw, epw)],
                        row_v.at[pl.ds(0, epw)])

        def compact_step(i, q):
            p = i * 16
            r = row_v[pl.ds(p, 16)]
            c = col_v[pl.ds(p, 16)]
            mask = (r >= lo) & (r < lo + half)
            plsc.store_compressed(row_v.at[pl.ds(q, 16)], r - lo, mask=mask)
            plsc.store_compressed(col_v.at[pl.ds(q, 16)], c, mask=mask)
            return q + plsc.all_reduce_population_count(mask)[0]

        q = lax.fori_loop(0, epw // 16, compact_step, jnp.int32(0))

        lanes = lax.iota(jnp.int32, 16)

        @pl.loop(0, NBUF * EDGE_B, step=16)
        def _(k):
            col_v[pl.ds(q + k, 16)] = jnp.zeros((16,), jnp.int32)
            row_v[pl.ds(q + k, 16)] = half + k + lanes

        nbq = q // (NBUF * EDGE_B) + 1
        nb = nbq * NBUF

        plsc.subcore_barrier()

        def scatter_start(j, k):
            @pl.loop(0, EDGE_B, step=16)
            def _(c):
                ridx2[k, pl.ds(c, 16)] = row_v[pl.ds(j * EDGE_B + c, 16)]
            pltpu.async_copy(fbufs[k], acc.at[ridx2.at[k]], ssems[k], add=True)

        def scatter_wait(k):
            pltpu.make_async_copy(fbufs[k], acc.at[ridx2.at[k]],
                                  ssems[k]).wait()

        def gather_start(j, k):
            pltpu.async_copy(
                y_hbm.at[col_v.at[pl.ds(j * EDGE_B, EDGE_B)]], gbufs[k],
                gsems[k])

        def gather_wait(j, k):
            pltpu.make_async_copy(
                y_hbm.at[col_v.at[pl.ds(j * EDGE_B, EDGE_B)]], gbufs[k],
                gsems[k]).wait()

        def convert(k):
            hi_mask = jnp.full((16,), -65536, jnp.int32)

            @pl.loop(0, EDGE_B)
            def _(r):
                for c in range(0, dh, 16):
                    v = gbufs[k][r, pl.ds(c, 16)]
                    lo = plsc.bitcast(v << 16, jnp.float32)
                    hi = plsc.bitcast(v & hi_mask, jnp.float32)
                    fbufs[k][r, pl.ds(c, 16)] = lo
                    fbufs[k][r, pl.ds(dh + c, 16)] = hi

        for k in range(NBUF):
            gather_start(k, k)

        def ring_step(i, carry):
            j = i * NBUF
            for k in range(NBUF):
                gather_wait(j + k, k)

                @pl.when(j + k >= NBUF)
                def _(k=k):
                    scatter_wait(k)

                convert(k)
                scatter_start(j + k, k)

                @pl.when(j + k + NBUF < nb)
                def _(k=k, j=j):
                    gather_start(j + k + NBUF, k)
            return carry

        lax.fori_loop(0, nbq, ring_step, jnp.int32(0))

        for k in range(NBUF):
            scatter_wait(k)

        plsc.subcore_barrier()

        pltpu.sync_copy(acc.at[pl.ds(sid * per, per)],
                        out_hbm.at[cid, pl.ds(sid * per, per)])

    return sc_segsum


def kernel(x, adj, weights_nbrs, weights_self, bias):
    n, d_in = x.shape
    d_out = weights_nbrs.shape[1]
    e = adj.shape[1]
    half = n // 2

    epw = _round_up(-(-e // NS), 16)
    e_pad = epw * NS
    n_acc = _round_up(half + NBUF * EDGE_B + 16, NS * ZROWS)

    adj32 = adj.astype(jnp.int32)
    pad = e_pad - e
    if pad:
        colv = jnp.concatenate([adj32[1], jnp.zeros((pad,), jnp.int32)])
        rowv = jnp.concatenate([adj32[0], jnp.full((pad,), n, jnp.int32)])
    else:
        colv, rowv = adj32[1], adj32[0]

    grid = n // ROW_B
    hb = half // ROW_B
    y = pl.pallas_call(
        _matmul_body,
        grid=(grid,),
        in_specs=[
            pl.BlockSpec((ROW_B, d_in), lambda i: (i, 0)),
            pl.BlockSpec((d_in, d_out), lambda i: (0, 0)),
        ],
        out_specs=pl.BlockSpec((ROW_B, d_out), lambda i: (i, 0)),
        out_shape=jax.ShapeDtypeStruct((n, d_out), jnp.bfloat16),
    )(x, weights_nbrs)

    dh = d_out // 2
    y32 = lax.bitcast_convert_type(
        jnp.stack([y[:, :dh], y[:, dh:]], axis=2), jnp.int32)

    s = pl.pallas_call(
        _self_body,
        grid=(grid,),
        in_specs=[
            pl.BlockSpec((ROW_B, d_in), lambda i: (i, 0)),
            pl.BlockSpec((d_in, d_out), lambda i: (0, 0)),
            pl.BlockSpec((1, d_out), lambda i: (0, 0)),
        ],
        out_specs=pl.BlockSpec((ROW_B, d_out), lambda i: (i, 0)),
        out_shape=jax.ShapeDtypeStruct((n, d_out), jnp.float32),
    )(x, weights_self, bias.reshape(1, d_out))

    partials = _make_sc_segment_sum(n_acc, d_out, epw, half)(y32, colv, rowv)

    out = pl.pallas_call(
        _combine_body,
        grid=(grid,),
        in_specs=[
            pl.BlockSpec((1, ROW_B, d_out), lambda i: (i // hb, i % hb, 0)),
            pl.BlockSpec((ROW_B, d_out), lambda i: (i, 0)),
        ],
        out_specs=pl.BlockSpec((ROW_B, d_out), lambda i: (i, 0)),
        out_shape=jax.ShapeDtypeStruct((n, d_out), jnp.float32),
    )(partials, s)

    return out

# --- scband reference (transcript-rebuilt; emitter-appended) ---
"""Pipeline reference for scband-gcnlayer-v2-57947698758370 (READ-ONLY COPY).

The authoritative reference and input builder live on the scoring server;
editing this copy changes nothing except your own understanding.
"""

import jax, jax.numpy as jnp
import numpy as np

N = 10000
E = 320000
D_IN = 128
D_OUT = 128


def setup_inputs(seed: int = 0) -> dict:
    key = jax.random.key(seed)
    k_x, k_adj, k_wn, k_ws = jax.random.split(key, 4)
    x = jax.random.normal(k_x, (N, D_IN), dtype=jnp.float32)
    adj = jax.random.randint(k_adj, (2, E), 0, N, dtype=jnp.int64)
    # xavier_uniform for [D_IN, D_OUT]
    limit = float(np.sqrt(6.0 / (D_IN + D_OUT)))
    weights_nbrs = jax.random.uniform(k_wn, (D_IN, D_OUT), dtype=jnp.float32, minval=-limit, maxval=limit)
    weights_self = jax.random.uniform(k_ws, (D_IN, D_OUT), dtype=jnp.float32, minval=-limit, maxval=limit)
    bias = jnp.zeros((D_OUT,), dtype=jnp.float32)
    return {"x": x, "adj": adj, "weights_nbrs": weights_nbrs, "weights_self": weights_self, "bias": bias}


def reference(x, adj, weights_nbrs, weights_self, bias):
    # y = x @ W_nbrs
    y = jnp.dot(x, weights_nbrs)
    # y = spmm(adj, y): adj is a binary sparse [N, N] matrix given as edge list
    # adj[0] = row (destination), adj[1] = col (source); spmm gathers from col, sums into row
    row = adj[0]
    col = adj[1]
    gathered = jnp.take(y, col, axis=0)
    y = jax.ops.segment_sum(gathered, row, num_segments=x.shape[0])
    # y = y + x @ W_self + bias
    y = y + jnp.dot(x, weights_self)
    y = y + bias
    return y

if __name__ == "__main__":
    import jax
    _d = setup_inputs()
    print(jax.jit(kernel)(*tuple(_d.values())))

</pallas_src>

<mosaic_0001>
#map = affine_map<(d0, d1) -> (0, 0)>
#map1 = affine_map<(d0, d1) -> (0)>
#map2 = affine_map<(d0, d1) -> (0, 0, 0)>
module attributes {stable_mosaic.version = 14 : i64} {
  func.func @sc_segsum(%arg0: i32, %arg1: i32, %arg2: memref<10000x64xi32, #tpu.memory_space<hbm>>, %arg3: memref<320000xi32, #tpu.memory_space<hbm>>, %arg4: memref<320000xi32, #tpu.memory_space<hbm>>, %arg5: memref<2x5632x128xf32, #tpu.memory_space<hbm>>, %arg6: memref<20192xi32, #tpu.memory_space<vmem>>, %arg7: memref<20192xi32, #tpu.memory_space<vmem>>, %arg8: memref<3x64xi32, #tpu.memory_space<vmem>>, %arg9: memref<64x64xi32, #tpu.memory_space<vmem>>, %arg10: memref<64x64xi32, #tpu.memory_space<vmem>>, %arg11: memref<64x64xi32, #tpu.memory_space<vmem>>, %arg12: memref<64x128xf32, #tpu.memory_space<vmem>>, %arg13: memref<64x128xf32, #tpu.memory_space<vmem>>, %arg14: memref<64x128xf32, #tpu.memory_space<vmem>>, %arg15: memref<32x128xf32, #tpu.memory_space<vmem>>, %arg16: memref<5632x128xf32, #tpu.memory_space<vmem_shared>>, %arg17: memref<!tpu.dma_semaphore, #tpu.memory_space<semaphore_mem>>, %arg18: memref<!tpu.dma_semaphore, #tpu.memory_space<semaphore_mem>>, %arg19: memref<!tpu.dma_semaphore, #tpu.memory_space<semaphore_mem>>, %arg20: memref<!tpu.dma_semaphore, #tpu.memory_space<semaphore_mem>>, %arg21: memref<!tpu.dma_semaphore, #tpu.memory_space<semaphore_mem>>, %arg22: memref<!tpu.dma_semaphore, #tpu.memory_space<semaphore_mem>>) attributes {dimension_semantics = [#tpu.dimension_semantics<core_parallel>, #tpu.dimension_semantics<subcore_parallel>], iteration_bounds = array<i64: 2, 16>, scalar_prefetch = 0 : i64, scratch_operands = 17 : i64, tpu.core_type = #tpu.core_type<sc_vector_subcore>, window_params = [{transform_indices = #map}, {transform_indices = #map1}, {transform_indices = #map1}, {transform_indices = #map2}]} {
    %mul3A = arith.constant 5000 : i32
    %mul3A_0 = arith.muli %arg0, %mul3A : i32
    %scan3A = arith.constant 0 : i32
    %scan3A_1 = arith.constant 32 : i32
    %scan3A_2 = arith.addi %scan3A, %scan3A_1 : i32
    %scan3A_3 = arith.constant 1 : i32
    scf.for %scan3A_93 = %scan3A to %scan3A_2 step %scan3A_3  : i32 {
      %mul3A_94 = arith.constant 1 : i32
      %mul3A_95 = arith.muli %scan3A_93, %mul3A_94 : i32
      %add3A_96 = arith.constant 0 : i32
      %add3A_97 = arith.addi %add3A_96, %mul3A_95 : i32
      %scan3A_98 = arith.constant 0 : i32
      %scan3A_99 = arith.constant 8 : i32
      %scan3A_100 = arith.addi %scan3A_98, %scan3A_99 : i32
      %scan3A_101 = arith.constant 1 : i32
      scf.for %scan3A_103 = %scan3A_98 to %scan3A_100 step %scan3A_101  : i32 {
        %mul3A_104 = arith.constant 16 : i32
        %mul3A_105 = arith.muli %scan3A_103, %mul3A_104 : i32
        %add3A_106 = arith.constant 0 : i32
        %add3A_107 = arith.addi %add3A_106, %mul3A_105 : i32
        %broadcast_in_dim3A = arith.constant 0.000000e+00 : f32
        %broadcast_in_dim3A_108 = vector.broadcast %broadcast_in_dim3A : f32 to vector<16xf32>
        %swap3A = arith.index_cast %add3A_97 : i32 to index
        %swap3A_109 = arith.index_cast %add3A_107 : i32 to index
        %swap3A_110 = tpu.vector_load %arg15[%swap3A, %swap3A_109] {strides = array<i32>} : memref<32x128xf32, #tpu.memory_space<vmem>>, vector<16xf32>,
        tpu.vector_store %arg15[%swap3A, %swap3A_109], %broadcast_in_dim3A_108 {strides = array<i32>} : memref<32x128xf32, #tpu.memory_space<vmem>>, vector<16xf32>,
      }
      %scan3A_102 = arith.constant 8 : i32
    }
    %scan3A_4 = arith.constant 32 : i32
    %scan3A_5 = arith.constant 0 : i32
    %scan3A_6 = arith.constant 11 : i32
    %scan3A_7 = arith.addi %scan3A_5, %scan3A_6 : i32
    %scan3A_8 = arith.constant 1 : i32
    scf.for %scan3A_93 = %scan3A_5 to %scan3A_7 step %scan3A_8  : i32 {
      %mul3A_94 = arith.constant 32 : i32
      %mul3A_95 = arith.muli %scan3A_93, %mul3A_94 : i32
      %add3A_96 = arith.constant 0 : i32
      %add3A_97 = arith.addi %add3A_96, %mul3A_95 : i32
      %mul3A_98 = arith.constant 352 : i32
      %mul3A_99 = arith.muli %arg1, %mul3A_98 : i32
      %add3A_100 = arith.addi %mul3A_99, %add3A_97 : i32
      "tpu.region"() ({
        %run_scoped3A = tpu.sem_alloc : memref<!tpu.dma_semaphore, #tpu.memory_space<semaphore_mem>>
        %dma_start3A_101 = arith.constant 0 : i32
        %dma_start3A_102 = tpu.memref_slice %arg16[%add3A_100, %dma_start3A_101] : memref<5632x128xf32, #tpu.memory_space<vmem_shared>> -> memref<32x128xf32, #tpu.memory_space<vmem_shared>>
        %dma_start3A_103 = arith.constant 0 : i32
        %dma_start3A_104 = tpu.memref_slice %arg16[%add3A_100, %dma_start3A_103] : memref<5632x128xf32, #tpu.memory_space<vmem_shared>> -> memref<32x128xf32, #tpu.memory_space<vmem_shared>>
        tpu.enqueue_dma source(%arg15 : memref<32x128xf32, #tpu.memory_space<vmem>>) target(%dma_start3A_104 : memref<32x128xf32, #tpu.memory_space<vmem_shared>>) target_semaphore(%run_scoped3A : memref<!tpu.dma_semaphore, #tpu.memory_space<semaphore_mem>>)
        %dma_wait3A_105 = arith.constant 0 : i32
        %dma_wait3A_106 = tpu.memref_slice %arg16[%add3A_100, %dma_wait3A_105] : memref<5632x128xf32, #tpu.memory_space<vmem_shared>> -> memref<32x128xf32, #tpu.memory_space<vmem_shared>>
        %dma_wait3A_107 = arith.constant 0 : i32
        %dma_wait3A_108 = tpu.memref_slice %arg16[%add3A_100, %dma_wait3A_107] : memref<5632x128xf32, #tpu.memory_space<vmem_shared>> -> memref<32x128xf32, #tpu.memory_space<vmem_shared>>
        tpu.wait_dma2 semaphore(%run_scoped3A : memref<!tpu.dma_semaphore, #tpu.memory_space<semaphore_mem>>) src(%arg15 : memref<32x128xf32, #tpu.memory_space<vmem>>) dst(%dma_wait3A_108 : memref<32x128xf32, #tpu.memory_space<vmem_shared>>)
        tpu.yield
      }) : () -> ()
    }
    %scan3A_9 = arith.constant 11 : i32
    %mul3A_10 = arith.constant 20000 : i32
    %mul3A_11 = arith.muli %arg1, %mul3A_10 : i32
    "tpu.region"() ({
      %run_scoped3A = tpu.sem_alloc : memref<!tpu.dma_semaphore, #tpu.memory_space<semaphore_mem>>
      %dma_start3A_93 = arith.constant 0 : i32
      %dma_start3A_94 = tpu.memref_slice %arg6[%dma_start3A_93] : memref<20192xi32, #tpu.memory_space<vmem>> -> memref<20000xi32, #tpu.memory_space<vmem>>
      %dma_start3A_95 = tpu.memref_slice %arg3[%mul3A_11] : memref<320000xi32, #tpu.memory_space<hbm>> -> memref<20000xi32, #tpu.memory_space<hbm>>
      %dma_start3A_96 = arith.constant 0 : i32
      %dma_start3A_97 = tpu.memref_slice %arg6[%dma_start3A_96] : memref<20192xi32, #tpu.memory_space<vmem>> -> memref<20000xi32, #tpu.memory_space<vmem>>
      %dma_start3A_98 = tpu.memref_slice %arg3[%mul3A_11] : memref<320000xi32, #tpu.memory_space<hbm>> -> memref<20000xi32, #tpu.memory_space<hbm>>
      tpu.enqueue_dma source(%dma_start3A_98 : memref<20000xi32, #tpu.memory_space<hbm>>) target(%dma_start3A_97 : memref<20000xi32, #tpu.memory_space<vmem>>) target_semaphore(%run_scoped3A : memref<!tpu.dma_semaphore, #tpu.memory_space<semaphore_mem>>)
      %dma_wait3A_99 = arith.constant 0 : i32
      %dma_wait3A_100 = tpu.memref_slice %arg6[%dma_wait3A_99] : memref<20192xi32, #tpu.memory_space<vmem>> -> memref<20000xi32, #tpu.memory_space<vmem>>
      %dma_wait3A_101 = tpu.memref_slice %arg3[%mul3A_11] : memref<320000xi32, #tpu.memory_space<hbm>> -> memref<20000xi32, #tpu.memory_space<hbm>>
      %dma_wait3A_102 = arith.constant 0 : i32
      %dma_wait3A_103 = tpu.memref_slice %arg6[%dma_wait3A_102] : memref<20192xi32, #tpu.memory_space<vmem>> -> memref<20000xi32, #tpu.memory_space<vmem>>
      %dma_wait3A_104 = tpu.memref_slice %arg3[%mul3A_11] : memref<320000xi32, #tpu.memory_space<hbm>> -> memref<20000xi32, #tpu.memory_space<hbm>>
      tpu.wait_dma2 semaphore(%run_scoped3A : memref<!tpu.dma_semaphore, #tpu.memory_space<semaphore_mem>>) src(%dma_wait3A_104 : memref<20000xi32, #tpu.memory_space<hbm>>) dst(%dma_wait3A_103 : memref<20000xi32, #tpu.memory_space<vmem>>)
      tpu.yield
    }) : () -> ()
    %mul3A_12 = arith.constant 20000 : i32
    %mul3A_13 = arith.muli %arg1, %mul3A_12 : i32
    "tpu.region"() ({
      %run_scoped3A = tpu.sem_alloc : memref<!tpu.dma_semaphore, #tpu.memory_space<semaphore_mem>>
      %dma_start3A_93 = arith.constant 0 : i32
      %dma_start3A_94 = tpu.memref_slice %arg7[%dma_start3A_93] : memref<20192xi32, #tpu.memory_space<vmem>> -> memref<20000xi32, #tpu.memory_space<vmem>>
      %dma_start3A_95 = tpu.memref_slice %arg4[%mul3A_13] : memref<320000xi32, #tpu.memory_space<hbm>> -> memref<20000xi32, #tpu.memory_space<hbm>>
      %dma_start3A_96 = arith.constant 0 : i32
      %dma_start3A_97 = tpu.memref_slice %arg7[%dma_start3A_96] : memref<20192xi32, #tpu.memory_space<vmem>> -> memref<20000xi32, #tpu.memory_space<vmem>>
      %dma_start3A_98 = tpu.memref_slice %arg4[%mul3A_13] : memref<320000xi32, #tpu.memory_space<hbm>> -> memref<20000xi32, #tpu.memory_space<hbm>>
      tpu.enqueue_dma source(%dma_start3A_98 : memref<20000xi32, #tpu.memory_space<hbm>>) target(%dma_start3A_97 : memref<20000xi32, #tpu.memory_space<vmem>>) target_semaphore(%run_scoped3A : memref<!tpu.dma_semaphore, #tpu.memory_space<semaphore_mem>>)
      %dma_wait3A_99 = arith.constant 0 : i32
      %dma_wait3A_100 = tpu.memref_slice %arg7[%dma_wait3A_99] : memref<20192xi32, #tpu.memory_space<vmem>> -> memref<20000xi32, #tpu.memory_space<vmem>>
      %dma_wait3A_101 = tpu.memref_slice %arg4[%mul3A_13] : memref<320000xi32, #tpu.memory_space<hbm>> -> memref<20000xi32, #tpu.memory_space<hbm>>
      %dma_wait3A_102 = arith.constant 0 : i32
      %dma_wait3A_103 = tpu.memref_slice %arg7[%dma_wait3A_102] : memref<20192xi32, #tpu.memory_space<vmem>> -> memref<20000xi32, #tpu.memory_space<vmem>>
      %dma_wait3A_104 = tpu.memref_slice %arg4[%mul3A_13] : memref<320000xi32, #tpu.memory_space<hbm>> -> memref<20000xi32, #tpu.memory_space<hbm>>
      tpu.wait_dma2 semaphore(%run_scoped3A : memref<!tpu.dma_semaphore, #tpu.memory_space<semaphore_mem>>) src(%dma_wait3A_104 : memref<20000xi32, #tpu.memory_space<hbm>>) dst(%dma_wait3A_103 : memref<20000xi32, #tpu.memory_space<vmem>>)
      tpu.yield
    }) : () -> ()
    %scan3A_14 = arith.constant 0 : i32
    %scan3A_15 = arith.constant 0 : i32
    %scan3A_16 = arith.constant 1250 : i32
    %scan3A_17 = arith.addi %scan3A_15, %scan3A_16 : i32
    %scan3A_18 = arith.constant 1 : i32
    %scan3A_19 = scf.for %scan3A_93 = %scan3A_15 to %scan3A_17 step %scan3A_18 iter_args(%scan3A_94 = %scan3A_14) -> (i32)  : i32 {
      %mul3A_95 = arith.constant 16 : i32
      %mul3A_96 = arith.muli %scan3A_93, %mul3A_95 : i32
      %get3A = arith.index_cast %mul3A_96 : i32 to index
      %get3A_97 = tpu.vector_load %arg7[%get3A] {strides = array<i32>} : memref<20192xi32, #tpu.memory_space<vmem>>, vector<16xi32>,
      %get3A_98 = arith.index_cast %mul3A_96 : i32 to index
      %get3A_99 = tpu.vector_load %arg6[%get3A_98] {strides = array<i32>} : memref<20192xi32, #tpu.memory_space<vmem>>, vector<16xi32>,
      %ge3A = vector.broadcast %mul3A_0 : i32 to vector<16xi32>
      %ge3A_100 = arith.cmpi sge, %get3A_97, %ge3A : vector<16xi32>
      %add3A_101 = arith.constant 5000 : i32
      %add3A_102 = arith.addi %mul3A_0, %add3A_101 : i32
      %lt3A = vector.broadcast %add3A_102 : i32 to vector<16xi32>
      %lt3A_103 = arith.cmpi slt, %get3A_97, %lt3A : vector<16xi32>
      %and3A_104 = arith.andi %ge3A_100, %lt3A_103 : vector<16xi1>
      %sub3A_105 = vector.broadcast %mul3A_0 : i32 to vector<16xi32>
      %sub3A_106 = arith.subi %get3A_97, %sub3A_105 : vector<16xi32>
      %swap3A = arith.index_cast %scan3A_94 : i32 to index
      %swap3A_107 = tpu.vector_load %arg7[%swap3A] masked %and3A_104 {strides = array<i32>} : memref<20192xi32, #tpu.memory_space<vmem>>, vector<16xi32>, vector<16xi1>
      tpu.vector_store %arg7[%swap3A], %sub3A_106 masked %and3A_104 {strides = array<i32>} : memref<20192xi32, #tpu.memory_space<vmem>>, vector<16xi32>, vector<16xi1>
      %swap3A_108 = arith.index_cast %scan3A_94 : i32 to index
      %swap3A_109 = tpu.vector_load %arg6[%swap3A_108] masked %and3A_104 {strides = array<i32>} : memref<20192xi32, #tpu.memory_space<vmem>>, vector<16xi32>, vector<16xi1>
      tpu.vector_store %arg6[%swap3A_108], %get3A_99 masked %and3A_104 {strides = array<i32>} : memref<20192xi32, #tpu.memory_space<vmem>>, vector<16xi32>, vector<16xi1>
      %all_reduce_population_count3A = tpu.all_reduce %and3A_104 {dim = 0 : i64, kind = #tpu.reduction_kind<sum>} : vector<16xi1> -> vector<16xi32>
      %slice3A = vector.extract_strided_slice %all_reduce_population_count3A {offsets = [0], sizes = [1], strides = [1]} : vector<16xi32> to vector<1xi32>
      %squeeze3A = vector.extract %slice3A[0] : i32 from vector<1xi32>
      %add3A_110 = arith.addi %scan3A_94, %squeeze3A : i32
      scf.yield %add3A_110 : i32
    }
    %scan3A_20 = arith.constant 1250 : i32
    %iota3A = tpu.iota {dimensions = array<i32: 0>} : vector<16xi32>
    %scan3A_21 = arith.constant 0 : i32
    %scan3A_22 = arith.constant 12 : i32
    %scan3A_23 = arith.addi %scan3A_21, %scan3A_22 : i32
    %scan3A_24 = arith.constant 1 : i32
    scf.for %scan3A_93 = %scan3A_21 to %scan3A_23 step %scan3A_24  : i32 {
      %mul3A_94 = arith.constant 16 : i32
      %mul3A_95 = arith.muli %scan3A_93, %mul3A_94 : i32
      %add3A_96 = arith.constant 0 : i32
      %add3A_97 = arith.addi %add3A_96, %mul3A_95 : i32
      %broadcast_in_dim3A = arith.constant 0 : i32
      %broadcast_in_dim3A_98 = vector.broadcast %broadcast_in_dim3A : i32 to vector<16xi32>
      %add3A_99 = arith.addi %scan3A_19, %add3A_97 : i32
      %swap3A = arith.index_cast %add3A_99 : i32 to index
      %swap3A_100 = tpu.vector_load %arg6[%swap3A] {strides = array<i32>} : memref<20192xi32, #tpu.memory_space<vmem>>, vector<16xi32>,
      tpu.vector_store %arg6[%swap3A], %broadcast_in_dim3A_98 {strides = array<i32>} : memref<20192xi32, #tpu.memory_space<vmem>>, vector<16xi32>,
      %add3A_101 = arith.constant 5000 : i32
      %add3A_102 = arith.addi %add3A_101, %add3A_97 : i32
      %add3A_103 = vector.broadcast %add3A_102 : i32 to vector<16xi32>
      %add3A_104 = arith.addi %add3A_103, %iota3A : vector<16xi32>
      %add3A_105 = arith.addi %scan3A_19, %add3A_97 : i32
      %swap3A_106 = arith.index_cast %add3A_105 : i32 to index
      %swap3A_107 = tpu.vector_load %arg7[%swap3A_106] {strides = array<i32>} : memref<20192xi32, #tpu.memory_space<vmem>>, vector<16xi32>,
      tpu.vector_store %arg7[%swap3A_106], %add3A_104 {strides = array<i32>} : memref<20192xi32, #tpu.memory_space<vmem>>, vector<16xi32>,
    }
    %scan3A_25 = arith.constant 12 : i32
    %jit3A = arith.constant 192 : i32
    %div3A = arith.divsi %scan3A_19, %jit3A : i32
    %sign3A = arith.constant 0 : i32
    %sign3A_26 = arith.cmpi sgt, %scan3A_19, %sign3A : i32
    %sign3A_27 = arith.extui %sign3A_26 : i1 to i32
    %sign3A_28 = arith.constant 0 : i32
    %sign3A_29 = arith.cmpi slt, %scan3A_19, %sign3A_28 : i32
    %sign3A_30 = arith.extui %sign3A_29 : i1 to i32
    %sign3A_31 = arith.subi %sign3A_27, %sign3A_30 : i32
    %sign3A_32 = arith.constant 0 : i32
    %sign3A_33 = arith.cmpi sgt, %jit3A, %sign3A_32 : i32
    %sign3A_34 = arith.extui %sign3A_33 : i1 to i32
    %sign3A_35 = arith.constant 0 : i32
    %sign3A_36 = arith.cmpi slt, %jit3A, %sign3A_35 : i32
    %sign3A_37 = arith.extui %sign3A_36 : i1 to i32
    %sign3A_38 = arith.subi %sign3A_34, %sign3A_37 : i32
    %ne3A = arith.cmpi ne, %sign3A_31, %sign3A_38 : i32
    %rem3A = arith.remsi %scan3A_19, %jit3A : i32
    %ne3A_39 = arith.constant 0 : i32
    %ne3A_40 = arith.cmpi ne, %rem3A, %ne3A_39 : i32
    %and3A = arith.andi %ne3A, %ne3A_40 : i1
    %sub3A = arith.constant 1 : i32
    %sub3A_41 = arith.subi %div3A, %sub3A : i32
    %select_n3A = arith.select %and3A, %sub3A_41, %div3A : i32
    %add3A = arith.constant 1 : i32
    %add3A_42 = arith.addi %select_n3A, %add3A : i32
    %mul3A_43 = arith.constant 3 : i32
    %mul3A_44 = arith.muli %add3A_42, %mul3A_43 : i32
    %barrier3A = arith.constant 0 : index
    tpu.barrier barrier_id(%barrier3A)
    %dma_start3A = arith.constant 0 : i32
    %dma_start3A_45 = tpu.memref_slice %arg6[%dma_start3A] : memref<20192xi32, #tpu.memory_space<vmem>> -> memref<64xi32, #tpu.memory_space<vmem>>
    %dma_start3A_46 = arith.constant 0 : i32
    %dma_start3A_47 = arith.constant 0 : i32
    %dma_start3A_48 = tpu.memref_slice %arg2[%dma_start3A_46, %dma_start3A_47] : memref<10000x64xi32, #tpu.memory_space<hbm>> -> memref<10000x64xi32, #tpu.memory_space<hbm>>
    tpu.enqueue_indirect_dma source(%dma_start3A_48 : memref<10000x64xi32, #tpu.memory_space<hbm>>) target(%arg9 : memref<64x64xi32, #tpu.memory_space<vmem>>) offsets(%dma_start3A_45 : memref<64xi32, #tpu.memory_space<vmem>>) semaphore(%arg17 : memref<!tpu.dma_semaphore, #tpu.memory_space<semaphore_mem>>)
    %dma_start3A_49 = arith.constant 64 : i32
    %dma_start3A_50 = tpu.memref_slice %arg6[%dma_start3A_49] : memref<20192xi32, #tpu.memory_space<vmem>> -> memref<64xi32, #tpu.memory_space<vmem>>
    %dma_start3A_51 = arith.constant 0 : i32
    %dma_start3A_52 = arith.constant 0 : i32
    %dma_start3A_53 = tpu.memref_slice %arg2[%dma_start3A_51, %dma_start3A_52] : memref<10000x64xi32, #tpu.memory_space<hbm>> -> memref<10000x64xi32, #tpu.memory_space<hbm>>
    tpu.enqueue_indirect_dma source(%dma_start3A_53 : memref<10000x64xi32, #tpu.memory_space<hbm>>) target(%arg10 : memref<64x64xi32, #tpu.memory_space<vmem>>) offsets(%dma_start3A_50 : memref<64xi32, #tpu.memory_space<vmem>>) semaphore(%arg18 : memref<!tpu.dma_semaphore, #tpu.memory_space<semaphore_mem>>)
    %dma_start3A_54 = arith.constant 128 : i32
    %dma_start3A_55 = tpu.memref_slice %arg6[%dma_start3A_54] : memref<20192xi32, #tpu.memory_space<vmem>> -> memref<64xi32, #tpu.memory_space<vmem>>
    %dma_start3A_56 = arith.constant 0 : i32
    %dma_start3A_57 = arith.constant 0 : i32
    %dma_start3A_58 = tpu.memref_slice %arg2[%dma_start3A_56, %dma_start3A_57] : memref<10000x64xi32, #tpu.memory_space<hbm>> -> memref<10000x64xi32, #tpu.memory_space<hbm>>
    tpu.enqueue_indirect_dma source(%dma_start3A_58 : memref<10000x64xi32, #tpu.memory_space<hbm>>) target(%arg11 : memref<64x64xi32, #tpu.memory_space<vmem>>) offsets(%dma_start3A_55 : memref<64xi32, #tpu.memory_space<vmem>>) semaphore(%arg19 : memref<!tpu.dma_semaphore, #tpu.memory_space<semaphore_mem>>)
    %while3A = arith.constant 0 : i32
    %while3A_59 = arith.constant 0 : i32
    %while3A_60 = arith.subi %add3A_42, %while3A_59 : i32
    %while3A_61 = arith.addi %while3A_59, %while3A_60 : i32
    %while3A_62 = arith.constant 1 : i32
    %while3A_63 = arith.divsi %while3A_60, %while3A_62 : i32
    %while3A_64 = arith.muli %while3A_63, %while3A_62 : i32
    %while3A_65 = arith.addi %while3A_59, %while3A_64 : i32
    %while3A_66 = arith.constant 1 : i32
    scf.for %while3A_93 = %while3A_59 to %while3A_65 step %while3A_66  : i32 {
      %mul3A_94 = arith.constant 3 : i32
      %mul3A_95 = arith.muli %while3A_93, %mul3A_94 : i32
      %add3A_96 = arith.constant 0 : i32
      %add3A_97 = arith.addi %mul3A_95, %add3A_96 : i32
      %mul3A_98 = arith.constant 64 : i32
      %mul3A_99 = arith.muli %add3A_97, %mul3A_98 : i32
      %dma_wait3A_100 = tpu.memref_slice %arg6[%mul3A_99] : memref<20192xi32, #tpu.memory_space<vmem>> -> memref<64xi32, #tpu.memory_space<vmem>>
      %dma_wait3A_101 = arith.constant 0 : i32
      %dma_wait3A_102 = arith.constant 0 : i32
      %dma_wait3A_103 = tpu.memref_slice %arg2[%dma_wait3A_101, %dma_wait3A_102] : memref<10000x64xi32, #tpu.memory_space<hbm>> -> memref<10000x64xi32, #tpu.memory_space<hbm>>
      tpu.wait_indirect_dma semaphore(%arg17 : memref<!tpu.dma_semaphore, #tpu.memory_space<semaphore_mem>>) src(%dma_wait3A_103 : memref<10000x64xi32, #tpu.memory_space<hbm>>) dst(%arg9 : memref<64x64xi32, #tpu.memory_space<vmem>>)
      %add3A_104 = arith.constant 0 : i32
      %add3A_105 = arith.addi %mul3A_95, %add3A_104 : i32
      %ge3A = arith.constant 3 : i32
      %ge3A_106 = arith.cmpi sge, %add3A_105, %ge3A : i32
      %convert_element_type3A = arith.extui %ge3A_106 : i1 to i32
      %cond3A = arith.constant 0 : i32
      %cond3A_107 = arith.cmpi ne, %convert_element_type3A, %cond3A : i32
      scf.if %cond3A_107 {
        %dma_wait3A_223 = arith.constant 0 : i32
        %dma_wait3A_224 = arith.constant 0 : i32
        %dma_wait3A_225 = tpu.memref_slice %arg8[%dma_wait3A_223, %dma_wait3A_224] : memref<3x64xi32, #tpu.memory_space<vmem>> -> memref<1x64xi32, #tpu.memory_space<vmem>>
        %dma_wait3A_226 = tpu.memref_squeeze %dma_wait3A_225 : memref<1x64xi32, #tpu.memory_space<vmem>> -> memref<64xi32, #tpu.memory_space<vmem>>
        %dma_wait3A_227 = arith.constant 0 : i32
        %dma_wait3A_228 = arith.constant 0 : i32
        %dma_wait3A_229 = tpu.memref_slice %arg16[%dma_wait3A_227, %dma_wait3A_228] : memref<5632x128xf32, #tpu.memory_space<vmem_shared>> -> memref<5632x128xf32, #tpu.memory_space<vmem_shared>>
        tpu.wait_indirect_dma semaphore(%arg20 : memref<!tpu.dma_semaphore, #tpu.memory_space<semaphore_mem>>) src(%arg12 : memref<64x128xf32, #tpu.memory_space<vmem>>) dst(%dma_wait3A_229 : memref<5632x128xf32, #tpu.memory_space<vmem_shared>>)
      } else {
      }
      %broadcast_in_dim3A = arith.constant -65536 : i32
      %broadcast_in_dim3A_108 = vector.broadcast %broadcast_in_dim3A : i32 to vector<16xi32>
      %scan3A_109 = arith.constant 0 : i32
      %scan3A_110 = arith.constant 64 : i32
      %scan3A_111 = arith.addi %scan3A_109, %scan3A_110 : i32
      %scan3A_112 = arith.constant 1 : i32
      scf.for %scan3A_223 = %scan3A_109 to %scan3A_111 step %scan3A_112  : i32 {
        %mul3A_224 = arith.constant 1 : i32
        %mul3A_225 = arith.muli %scan3A_223, %mul3A_224 : i32
        %add3A_226 = arith.constant 0 : i32
        %add3A_227 = arith.addi %add3A_226, %mul3A_225 : i32
        %get3A = arith.index_cast %add3A_227 : i32 to index
        %get3A_228 = arith.constant 0 : index
        %get3A_229 = tpu.vector_load %arg9[%get3A, %get3A_228] {strides = array<i32>} : memref<64x64xi32, #tpu.memory_space<vmem>>, vector<16xi32>,
        %shift_left3A = arith.constant 16 : i32
        %shift_left3A_230 = vector.broadcast %shift_left3A : i32 to vector<16xi32>
        %shift_left3A_231 = arith.shli %get3A_229, %shift_left3A_230 : vector<16xi32>
        %bitcast3A = vector.bitcast %shift_left3A_231 : vector<16xi32> to vector<16xf32>
        %and3A_232 = arith.andi %get3A_229, %broadcast_in_dim3A_108 : vector<16xi32>
        %bitcast3A_233 = vector.bitcast %and3A_232 : vector<16xi32> to vector<16xf32>
        %swap3A = arith.index_cast %add3A_227 : i32 to index
        %swap3A_234 = arith.constant 0 : index
        %swap3A_235 = tpu.vector_load %arg12[%swap3A, %swap3A_234] {strides = array<i32>} : memref<64x128xf32, #tpu.memory_space<vmem>>, vector<16xf32>,
        tpu.vector_store %arg12[%swap3A, %swap3A_234], %bitcast3A {strides = array<i32>} : memref<64x128xf32, #tpu.memory_space<vmem>>, vector<16xf32>,
        %swap3A_236 = arith.index_cast %add3A_227 : i32 to index
        %swap3A_237 = arith.constant 64 : index
        %swap3A_238 = tpu.vector_load %arg12[%swap3A_236, %swap3A_237] {strides = array<i32>} : memref<64x128xf32, #tpu.memory_space<vmem>>, vector<16xf32>,
        tpu.vector_store %arg12[%swap3A_236, %swap3A_237], %bitcast3A_233 {strides = array<i32>} : memref<64x128xf32, #tpu.memory_space<vmem>>, vector<16xf32>,
        %get3A_239 = arith.index_cast %add3A_227 : i32 to index
        %get3A_240 = arith.constant 16 : index
        %get3A_241 = tpu.vector_load %arg9[%get3A_239, %get3A_240] {strides = array<i32>} : memref<64x64xi32, #tpu.memory_space<vmem>>, vector<16xi32>,
        %shift_left3A_242 = arith.constant 16 : i32
        %shift_left3A_243 = vector.broadcast %shift_left3A_242 : i32 to vector<16xi32>
        %shift_left3A_244 = arith.shli %get3A_241, %shift_left3A_243 : vector<16xi32>
        %bitcast3A_245 = vector.bitcast %shift_left3A_244 : vector<16xi32> to vector<16xf32>
        %and3A_246 = arith.andi %get3A_241, %broadcast_in_dim3A_108 : vector<16xi32>
        %bitcast3A_247 = vector.bitcast %and3A_246 : vector<16xi32> to vector<16xf32>
        %swap3A_248 = arith.index_cast %add3A_227 : i32 to index
        %swap3A_249 = arith.constant 16 : index
        %swap3A_250 = tpu.vector_load %arg12[%swap3A_248, %swap3A_249] {strides = array<i32>} : memref<64x128xf32, #tpu.memory_space<vmem>>, vector<16xf32>,
        tpu.vector_store %arg12[%swap3A_248, %swap3A_249], %bitcast3A_245 {strides = array<i32>} : memref<64x128xf32, #tpu.memory_space<vmem>>, vector<16xf32>,
        %swap3A_251 = arith.index_cast %add3A_227 : i32 to index
        %swap3A_252 = arith.constant 80 : index
        %swap3A_253 = tpu.vector_load %arg12[%swap3A_251, %swap3A_252] {strides = array<i32>} : memref<64x128xf32, #tpu.memory_space<vmem>>, vector<16xf32>,
        tpu.vector_store %arg12[%swap3A_251, %swap3A_252], %bitcast3A_247 {strides = array<i32>} : memref<64x128xf32, #tpu.memory_space<vmem>>, vector<16xf32>,
        %get3A_254 = arith.index_cast %add3A_227 : i32 to index
        %get3A_255 = arith.constant 32 : index
        %get3A_256 = tpu.vector_load %arg9[%get3A_254, %get3A_255] {strides = array<i32>} : memref<64x64xi32, #tpu.memory_space<vmem>>, vector<16xi32>,
        %shift_left3A_257 = arith.constant 16 : i32
        %shift_left3A_258 = vector.broadcast %shift_left3A_257 : i32 to vector<16xi32>
        %shift_left3A_259 = arith.shli %get3A_256, %shift_left3A_258 : vector<16xi32>
        %bitcast3A_260 = vector.bitcast %shift_left3A_259 : vector<16xi32> to vector<16xf32>
        %and3A_261 = arith.andi %get3A_256, %broadcast_in_dim3A_108 : vector<16xi32>
        %bitcast3A_262 = vector.bitcast %and3A_261 : vector<16xi32> to vector<16xf32>
        %swap3A_263 = arith.index_cast %add3A_227 : i32 to index
        %swap3A_264 = arith.constant 32 : index
        %swap3A_265 = tpu.vector_load %arg12[%swap3A_263, %swap3A_264] {strides = array<i32>} : memref<64x128xf32, #tpu.memory_space<vmem>>, vector<16xf32>,
        tpu.vector_store %arg12[%swap3A_263, %swap3A_264], %bitcast3A_260 {strides = array<i32>} : memref<64x128xf32, #tpu.memory_space<vmem>>, vector<16xf32>,
        %swap3A_266 = arith.index_cast %add3A_227 : i32 to index
        %swap3A_267 = arith.constant 96 : index
        %swap3A_268 = tpu.vector_load %arg12[%swap3A_266, %swap3A_267] {strides = array<i32>} : memref<64x128xf32, #tpu.memory_space<vmem>>, vector<16xf32>,
        tpu.vector_store %arg12[%swap3A_266, %swap3A_267], %bitcast3A_262 {strides = array<i32>} : memref<64x128xf32, #tpu.memory_space<vmem>>, vector<16xf32>,
        %get3A_269 = arith.index_cast %add3A_227 : i32 to index
        %get3A_270 = arith.constant 48 : index
        %get3A_271 = tpu.vector_load %arg9[%get3A_269, %get3A_270] {strides = array<i32>} : memref<64x64xi32, #tpu.memory_space<vmem>>, vector<16xi32>,
        %shift_left3A_272 = arith.constant 16 : i32
        %shift_left3A_273 = vector.broadcast %shift_left3A_272 : i32 to vector<16xi32>
        %shift_left3A_274 = arith.shli %get3A_271, %shift_left3A_273 : vector<16xi32>
        %bitcast3A_275 = vector.bitcast %shift_left3A_274 : vector<16xi32> to vector<16xf32>
        %and3A_276 = arith.andi %get3A_271, %broadcast_in_dim3A_108 : vector<16xi32>
        %bitcast3A_277 = vector.bitcast %and3A_276 : vector<16xi32> to vector<16xf32>
        %swap3A_278 = arith.index_cast %add3A_227 : i32 to index
        %swap3A_279 = arith.constant 48 : index
        %swap3A_280 = tpu.vector_load %arg12[%swap3A_278, %swap3A_279] {strides = array<i32>} : memref<64x128xf32, #tpu.memory_space<vmem>>, vector<16xf32>,
        tpu.vector_store %arg12[%swap3A_278, %swap3A_279], %bitcast3A_275 {strides = array<i32>} : memref<64x128xf32, #tpu.memory_space<vmem>>, vector<16xf32>,
        %swap3A_281 = arith.index_cast %add3A_227 : i32 to index
        %swap3A_282 = arith.constant 112 : index
        %swap3A_283 = tpu.vector_load %arg12[%swap3A_281, %swap3A_282] {strides = array<i32>} : memref<64x128xf32, #tpu.memory_space<vmem>>, vector<16xf32>,
        tpu.vector_store %arg12[%swap3A_281, %swap3A_282], %bitcast3A_277 {strides = array<i32>} : memref<64x128xf32, #tpu.memory_space<vmem>>, vector<16xf32>,
      }
      %scan3A_113 = arith.constant 64 : i32
      %add3A_114 = arith.constant 0 : i32
      %add3A_115 = arith.addi %mul3A_95, %add3A_114 : i32
      %scan3A_116 = arith.constant 0 : i32
      %scan3A_117 = arith.constant 4 : i32
      %scan3A_118 = arith.addi %scan3A_116, %scan3A_117 : i32
      %scan3A_119 = arith.constant 1 : i32
      scf.for %scan3A_223 = %scan3A_116 to %scan3A_118 step %scan3A_119  : i32 {
        %mul3A_224 = arith.constant 16 : i32
        %mul3A_225 = arith.muli %scan3A_223, %mul3A_224 : i32
        %add3A_226 = arith.constant 0 : i32
        %add3A_227 = arith.addi %add3A_226, %mul3A_225 : i32
        %mul3A_228 = arith.constant 64 : i32
        %mul3A_229 = arith.muli %add3A_115, %mul3A_228 : i32
        %add3A_230 = arith.addi %mul3A_229, %add3A_227 : i32
        %get3A = arith.index_cast %add3A_230 : i32 to index
        %get3A_231 = tpu.vector_load %arg7[%get3A] {strides = array<i32>} : memref<20192xi32, #tpu.memory_space<vmem>>, vector<16xi32>,
        %swap3A = arith.constant 0 : i32
        %swap3A_232 = arith.index_cast %swap3A : i32 to index
        %swap3A_233 = arith.index_cast %add3A_227 : i32 to index
        %swap3A_234 = tpu.vector_load %arg8[%swap3A_232, %swap3A_233] {strides = array<i32>} : memref<3x64xi32, #tpu.memory_space<vmem>>, vector<16xi32>,
        tpu.vector_store %arg8[%swap3A_232, %swap3A_233], %get3A_231 {strides = array<i32>} : memref<3x64xi32, #tpu.memory_space<vmem>>, vector<16xi32>,
      }
      %scan3A_120 = arith.constant 4 : i32
      %dma_start3A_121 = arith.constant 0 : i32
      %dma_start3A_122 = arith.constant 0 : i32
      %dma_start3A_123 = tpu.memref_slice %arg8[%dma_start3A_121, %dma_start3A_122] : memref<3x64xi32, #tpu.memory_space<vmem>> -> memref<1x64xi32, #tpu.memory_space<vmem>>
      %dma_start3A_124 = tpu.memref_squeeze %dma_start3A_123 : memref<1x64xi32, #tpu.memory_space<vmem>> -> memref<64xi32, #tpu.memory_space<vmem>>
      %dma_start3A_125 = arith.constant 0 : i32
      %dma_start3A_126 = arith.constant 0 : i32
      %dma_start3A_127 = tpu.memref_slice %arg16[%dma_start3A_125, %dma_start3A_126] : memref<5632x128xf32, #tpu.memory_space<vmem_shared>> -> memref<5632x128xf32, #tpu.memory_space<vmem_shared>>
      tpu.enqueue_indirect_dma source(%arg12 : memref<64x128xf32, #tpu.memory_space<vmem>>) target(%dma_start3A_127 : memref<5632x128xf32, #tpu.memory_space<vmem_shared>>) offsets(%dma_start3A_124 : memref<64xi32, #tpu.memory_space<vmem>>) semaphore(%arg20 : memref<!tpu.dma_semaphore, #tpu.memory_space<semaphore_mem>>) {add = true}
      %add3A_128 = arith.constant 0 : i32
      %add3A_129 = arith.addi %mul3A_95, %add3A_128 : i32
      %add3A_130 = arith.constant 3 : i32
      %add3A_131 = arith.addi %add3A_129, %add3A_130 : i32
      %lt3A = arith.cmpi slt, %add3A_131, %mul3A_44 : i32
      %convert_element_type3A_132 = arith.extui %lt3A : i1 to i32
      %cond3A_133 = arith.constant 0 : i32
      %cond3A_134 = arith.cmpi ne, %convert_element_type3A_132, %cond3A_133 : i32
      scf.if %cond3A_134 {
        %add3A_223 = arith.constant 0 : i32
        %add3A_224 = arith.addi %mul3A_95, %add3A_223 : i32
        %add3A_225 = arith.constant 3 : i32
        %add3A_226 = arith.addi %add3A_224, %add3A_225 : i32
        %mul3A_227 = arith.constant 64 : i32
        %mul3A_228 = arith.muli %add3A_226, %mul3A_227 : i32
        %dma_start3A_229 = tpu.memref_slice %arg6[%mul3A_228] : memref<20192xi32, #tpu.memory_space<vmem>> -> memref<64xi32, #tpu.memory_space<vmem>>
        %dma_start3A_230 = arith.constant 0 : i32
        %dma_start3A_231 = arith.constant 0 : i32
        %dma_start3A_232 = tpu.memref_slice %arg2[%dma_start3A_230, %dma_start3A_231] : memref<10000x64xi32, #tpu.memory_space<hbm>> -> memref<10000x64xi32, #tpu.memory_space<hbm>>
        tpu.enqueue_indirect_dma source(%dma_start3A_232 : memref<10000x64xi32, #tpu.memory_space<hbm>>) target(%arg9 : memref<64x64xi32, #tpu.memory_space<vmem>>) offsets(%dma_start3A_229 : memref<64xi32, #tpu.memory_space<vmem>>) semaphore(%arg17 : memref<!tpu.dma_semaphore, #tpu.memory_space<semaphore_mem>>)
      } else {
      }
      %add3A_135 = arith.constant 1 : i32
      %add3A_136 = arith.addi %mul3A_95, %add3A_135 : i32
      %mul3A_137 = arith.constant 64 : i32
      %mul3A_138 = arith.muli %add3A_136, %mul3A_137 : i32
      %dma_wait3A_139 = tpu.memref_slice %arg6[%mul3A_138] : memref<20192xi32, #tpu.memory_space<vmem>> -> memref<64xi32, #tpu.memory_space<vmem>>
      %dma_wait3A_140 = arith.constant 0 : i32
      %dma_wait3A_141 = arith.constant 0 : i32
      %dma_wait3A_142 = tpu.memref_slice %arg2[%dma_wait3A_140, %dma_wait3A_141] : memref<10000x64xi32, #tpu.memory_space<hbm>> -> memref<10000x64xi32, #tpu.memory_space<hbm>>
      tpu.wait_indirect_dma semaphore(%arg18 : memref<!tpu.dma_semaphore, #tpu.memory_space<semaphore_mem>>) src(%dma_wait3A_142 : memref<10000x64xi32, #tpu.memory_space<hbm>>) dst(%arg10 : memref<64x64xi32, #tpu.memory_space<vmem>>)
      %add3A_143 = arith.constant 1 : i32
      %add3A_144 = arith.addi %mul3A_95, %add3A_143 : i32
      %ge3A_145 = arith.constant 3 : i32
      %ge3A_146 = arith.cmpi sge, %add3A_144, %ge3A_145 : i32
      %convert_element_type3A_147 = arith.extui %ge3A_146 : i1 to i32
      %cond3A_148 = arith.constant 0 : i32
      %cond3A_149 = arith.cmpi ne, %convert_element_type3A_147, %cond3A_148 : i32
      scf.if %cond3A_149 {
        %dma_wait3A_223 = arith.constant 1 : i32
        %dma_wait3A_224 = arith.constant 0 : i32
        %dma_wait3A_225 = tpu.memref_slice %arg8[%dma_wait3A_223, %dma_wait3A_224] : memref<3x64xi32, #tpu.memory_space<vmem>> -> memref<1x64xi32, #tpu.memory_space<vmem>>
        %dma_wait3A_226 = tpu.memref_squeeze %dma_wait3A_225 : memref<1x64xi32, #tpu.memory_space<vmem>> -> memref<64xi32, #tpu.memory_space<vmem>>
        %dma_wait3A_227 = arith.constant 0 : i32
        %dma_wait3A_228 = arith.constant 0 : i32
        %dma_wait3A_229 = tpu.memref_slice %arg16[%dma_wait3A_227, %dma_wait3A_228] : memref<5632x128xf32, #tpu.memory_space<vmem_shared>> -> memref<5632x128xf32, #tpu.memory_space<vmem_shared>>
        tpu.wait_indirect_dma semaphore(%arg21 : memref<!tpu.dma_semaphore, #tpu.memory_space<semaphore_mem>>) src(%arg13 : memref<64x128xf32, #tpu.memory_space<vmem>>) dst(%dma_wait3A_229 : memref<5632x128xf32, #tpu.memory_space<vmem_shared>>)
      } else {
      }
      %broadcast_in_dim3A_150 = arith.constant -65536 : i32
      %broadcast_in_dim3A_151 = vector.broadcast %broadcast_in_dim3A_150 : i32 to vector<16xi32>
      %scan3A_152 = arith.constant 0 : i32
      %scan3A_153 = arith.constant 64 : i32
      %scan3A_154 = arith.addi %scan3A_152, %scan3A_153 : i32
      %scan3A_155 = arith.constant 1 : i32
      scf.for %scan3A_223 = %scan3A_152 to %scan3A_154 step %scan3A_155  : i32 {
        %mul3A_224 = arith.constant 1 : i32
        %mul3A_225 = arith.muli %scan3A_223, %mul3A_224 : i32
        %add3A_226 = arith.constant 0 : i32
        %add3A_227 = arith.addi %add3A_226, %mul3A_225 : i32
        %get3A = arith.index_cast %add3A_227 : i32 to index
        %get3A_228 = arith.constant 0 : index
        %get3A_229 = tpu.vector_load %arg10[%get3A, %get3A_228] {strides = array<i32>} : memref<64x64xi32, #tpu.memory_space<vmem>>, vector<16xi32>,
        %shift_left3A = arith.constant 16 : i32
        %shift_left3A_230 = vector.broadcast %shift_left3A : i32 to vector<16xi32>
        %shift_left3A_231 = arith.shli %get3A_229, %shift_left3A_230 : vector<16xi32>
        %bitcast3A = vector.bitcast %shift_left3A_231 : vector<16xi32> to vector<16xf32>
        %and3A_232 = arith.andi %get3A_229, %broadcast_in_dim3A_151 : vector<16xi32>
        %bitcast3A_233 = vector.bitcast %and3A_232 : vector<16xi32> to vector<16xf32>
        %swap3A = arith.index_cast %add3A_227 : i32 to index
        %swap3A_234 = arith.constant 0 : index
        %swap3A_235 = tpu.vector_load %arg13[%swap3A, %swap3A_234] {strides = array<i32>} : memref<64x128xf32, #tpu.memory_space<vmem>>, vector<16xf32>,
        tpu.vector_store %arg13[%swap3A, %swap3A_234], %bitcast3A {strides = array<i32>} : memref<64x128xf32, #tpu.memory_space<vmem>>, vector<16xf32>,
        %swap3A_236 = arith.index_cast %add3A_227 : i32 to index
        %swap3A_237 = arith.constant 64 : index
        %swap3A_238 = tpu.vector_load %arg13[%swap3A_236, %swap3A_237] {strides = array<i32>} : memref<64x128xf32, #tpu.memory_space<vmem>>, vector<16xf32>,
        tpu.vector_store %arg13[%swap3A_236, %swap3A_237], %bitcast3A_233 {strides = array<i32>} : memref<64x128xf32, #tpu.memory_space<vmem>>, vector<16xf32>,
        %get3A_239 = arith.index_cast %add3A_227 : i32 to index
        %get3A_240 = arith.constant 16 : index
        %get3A_241 = tpu.vector_load %arg10[%get3A_239, %get3A_240] {strides = array<i32>} : memref<64x64xi32, #tpu.memory_space<vmem>>, vector<16xi32>,
        %shift_left3A_242 = arith.constant 16 : i32
        %shift_left3A_243 = vector.broadcast %shift_left3A_242 : i32 to vector<16xi32>
        %shift_left3A_244 = arith.shli %get3A_241, %shift_left3A_243 : vector<16xi32>
        %bitcast3A_245 = vector.bitcast %shift_left3A_244 : vector<16xi32> to vector<16xf32>
        %and3A_246 = arith.andi %get3A_241, %broadcast_in_dim3A_151 : vector<16xi32>
        %bitcast3A_247 = vector.bitcast %and3A_246 : vector<16xi32> to vector<16xf32>
        %swap3A_248 = arith.index_cast %add3A_227 : i32 to index
        %swap3A_249 = arith.constant 16 : index
        %swap3A_250 = tpu.vector_load %arg13[%swap3A_248, %swap3A_249] {strides = array<i32>} : memref<64x128xf32, #tpu.memory_space<vmem>>, vector<16xf32>,
        tpu.vector_store %arg13[%swap3A_248, %swap3A_249], %bitcast3A_245 {strides = array<i32>} : memref<64x128xf32, #tpu.memory_space<vmem>>, vector<16xf32>,
        %swap3A_251 = arith.index_cast %add3A_227 : i32 to index
        %swap3A_252 = arith.constant 80 : index
        %swap3A_253 = tpu.vector_load %arg13[%swap3A_251, %swap3A_252] {strides = array<i32>} : memref<64x128xf32, #tpu.memory_space<vmem>>, vector<16xf32>,
        tpu.vector_store %arg13[%swap3A_251, %swap3A_252], %bitcast3A_247 {strides = array<i32>} : memref<64x128xf32, #tpu.memory_space<vmem>>, vector<16xf32>,
        %get3A_254 = arith.index_cast %add3A_227 : i32 to index
        %get3A_255 = arith.constant 32 : index
        %get3A_256 = tpu.vector_load %arg10[%get3A_254, %get3A_255] {strides = array<i32>} : memref<64x64xi32, #tpu.memory_space<vmem>>, vector<16xi32>,
        %shift_left3A_257 = arith.constant 16 : i32
        %shift_left3A_258 = vector.broadcast %shift_left3A_257 : i32 to vector<16xi32>
        %shift_left3A_259 = arith.shli %get3A_256, %shift_left3A_258 : vector<16xi32>
        %bitcast3A_260 = vector.bitcast %shift_left3A_259 : vector<16xi32> to vector<16xf32>
        %and3A_261 = arith.andi %get3A_256, %broadcast_in_dim3A_151 : vector<16xi32>
        %bitcast3A_262 = vector.bitcast %and3A_261 : vector<16xi32> to vector<16xf32>
        %swap3A_263 = arith.index_cast %add3A_227 : i32 to index
        %swap3A_264 = arith.constant 32 : index
        %swap3A_265 = tpu.vector_load %arg13[%swap3A_263, %swap3A_264] {strides = array<i32>} : memref<64x128xf32, #tpu.memory_space<vmem>>, vector<16xf32>,
        tpu.vector_store %arg13[%swap3A_263, %swap3A_264], %bitcast3A_260 {strides = array<i32>} : memref<64x128xf32, #tpu.memory_space<vmem>>, vector<16xf32>,
        %swap3A_266 = arith.index_cast %add3A_227 : i32 to index
        %swap3A_267 = arith.constant 96 : index
        %swap3A_268 = tpu.vector_load %arg13[%swap3A_266, %swap3A_267] {strides = array<i32>} : memref<64x128xf32, #tpu.memory_space<vmem>>, vector<16xf32>,
        tpu.vector_store %arg13[%swap3A_266, %swap3A_267], %bitcast3A_262 {strides = array<i32>} : memref<64x128xf32, #tpu.memory_space<vmem>>, vector<16xf32>,
        %get3A_269 = arith.index_cast %add3A_227 : i32 to index
        %get3A_270 = arith.constant 48 : index
        %get3A_271 = tpu.vector_load %arg10[%get3A_269, %get3A_270] {strides = array<i32>} : memref<64x64xi32, #tpu.memory_space<vmem>>, vector<16xi32>,
        %shift_left3A_272 = arith.constant 16 : i32
        %shift_left3A_273 = vector.broadcast %shift_left3A_272 : i32 to vector<16xi32>
        %shift_left3A_274 = arith.shli %get3A_271, %shift_left3A_273 : vector<16xi32>
        %bitcast3A_275 = vector.bitcast %shift_left3A_274 : vector<16xi32> to vector<16xf32>
        %and3A_276 = arith.andi %get3A_271, %broadcast_in_dim3A_151 : vector<16xi32>
        %bitcast3A_277 = vector.bitcast %and3A_276 : vector<16xi32> to vector<16xf32>
        %swap3A_278 = arith.index_cast %add3A_227 : i32 to index
        %swap3A_279 = arith.constant 48 : index
        %swap3A_280 = tpu.vector_load %arg13[%swap3A_278, %swap3A_279] {strides = array<i32>} : memref<64x128xf32, #tpu.memory_space<vmem>>, vector<16xf32>,
        tpu.vector_store %arg13[%swap3A_278, %swap3A_279], %bitcast3A_275 {strides = array<i32>} : memref<64x128xf32, #tpu.memory_space<vmem>>, vector<16xf32>,
        %swap3A_281 = arith.index_cast %add3A_227 : i32 to index
        %swap3A_282 = arith.constant 112 : index
        %swap3A_283 = tpu.vector_load %arg13[%swap3A_281, %swap3A_282] {strides = array<i32>} : memref<64x128xf32, #tpu.memory_space<vmem>>, vector<16xf32>,
        tpu.vector_store %arg13[%swap3A_281, %swap3A_282], %bitcast3A_277 {strides = array<i32>} : memref<64x128xf32, #tpu.memory_space<vmem>>, vector<16xf32>,
      }
      %scan3A_156 = arith.constant 64 : i32
      %add3A_157 = arith.constant 1 : i32
      %add3A_158 = arith.addi %mul3A_95, %add3A_157 : i32
      %scan3A_159 = arith.constant 0 : i32
      %scan3A_160 = arith.constant 4 : i32
      %scan3A_161 = arith.addi %scan3A_159, %scan3A_160 : i32
      %scan3A_162 = arith.constant 1 : i32
      scf.for %scan3A_223 = %scan3A_159 to %scan3A_161 step %scan3A_162  : i32 {
        %mul3A_224 = arith.constant 16 : i32
        %mul3A_225 = arith.muli %scan3A_223, %mul3A_224 : i32
        %add3A_226 = arith.constant 0 : i32
        %add3A_227 = arith.addi %add3A_226, %mul3A_225 : i32
        %mul3A_228 = arith.constant 64 : i32
        %mul3A_229 = arith.muli %add3A_158, %mul3A_228 : i32
        %add3A_230 = arith.addi %mul3A_229, %add3A_227 : i32
        %get3A = arith.index_cast %add3A_230 : i32 to index
        %get3A_231 = tpu.vector_load %arg7[%get3A] {strides = array<i32>} : memref<20192xi32, #tpu.memory_space<vmem>>, vector<16xi32>,
        %swap3A = arith.constant 1 : i32
        %swap3A_232 = arith.index_cast %swap3A : i32 to index
        %swap3A_233 = arith.index_cast %add3A_227 : i32 to index
        %swap3A_234 = tpu.vector_load %arg8[%swap3A_232, %swap3A_233] {strides = array<i32>} : memref<3x64xi32, #tpu.memory_space<vmem>>, vector<16xi32>,
        tpu.vector_store %arg8[%swap3A_232, %swap3A_233], %get3A_231 {strides = array<i32>} : memref<3x64xi32, #tpu.memory_space<vmem>>, vector<16xi32>,
      }
      %scan3A_163 = arith.constant 4 : i32
      %dma_start3A_164 = arith.constant 1 : i32
      %dma_start3A_165 = arith.constant 0 : i32
      %dma_start3A_166 = tpu.memref_slice %arg8[%dma_start3A_164, %dma_start3A_165] : memref<3x64xi32, #tpu.memory_space<vmem>> -> memref<1x64xi32, #tpu.memory_space<vmem>>
      %dma_start3A_167 = tpu.memref_squeeze %dma_start3A_166 : memref<1x64xi32, #tpu.memory_space<vmem>> -> memref<64xi32, #tpu.memory_space<vmem>>
      %dma_start3A_168 = arith.constant 0 : i32
      %dma_start3A_169 = arith.constant 0 : i32
      %dma_start3A_170 = tpu.memref_slice %arg16[%dma_start3A_168, %dma_start3A_169] : memref<5632x128xf32, #tpu.memory_space<vmem_shared>> -> memref<5632x128xf32, #tpu.memory_space<vmem_shared>>
      tpu.enqueue_indirect_dma source(%arg13 : memref<64x128xf32, #tpu.memory_space<vmem>>) target(%dma_start3A_170 : memref<5632x128xf32, #tpu.memory_space<vmem_shared>>) offsets(%dma_start3A_167 : memref<64xi32, #tpu.memory_space<vmem>>) semaphore(%arg21 : memref<!tpu.dma_semaphore, #tpu.memory_space<semaphore_mem>>) {add = true}
      %add3A_171 = arith.constant 1 : i32
      %add3A_172 = arith.addi %mul3A_95, %add3A_171 : i32
      %add3A_173 = arith.constant 3 : i32
      %add3A_174 = arith.addi %add3A_172, %add3A_173 : i32
      %lt3A_175 = arith.cmpi slt, %add3A_174, %mul3A_44 : i32
      %convert_element_type3A_176 = arith.extui %lt3A_175 : i1 to i32
      %cond3A_177 = arith.constant 0 : i32
      %cond3A_178 = arith.cmpi ne, %convert_element_type3A_176, %cond3A_177 : i32
      scf.if %cond3A_178 {
        %add3A_223 = arith.constant 1 : i32
        %add3A_224 = arith.addi %mul3A_95, %add3A_223 : i32
        %add3A_225 = arith.constant 3 : i32
        %add3A_226 = arith.addi %add3A_224, %add3A_225 : i32
        %mul3A_227 = arith.constant 64 : i32
        %mul3A_228 = arith.muli %add3A_226, %mul3A_227 : i32
        %dma_start3A_229 = tpu.memref_slice %arg6[%mul3A_228] : memref<20192xi32, #tpu.memory_space<vmem>> -> memref<64xi32, #tpu.memory_space<vmem>>
        %dma_start3A_230 = arith.constant 0 : i32
        %dma_start3A_231 = arith.constant 0 : i32
        %dma_start3A_232 = tpu.memref_slice %arg2[%dma_start3A_230, %dma_start3A_231] : memref<10000x64xi32, #tpu.memory_space<hbm>> -> memref<10000x64xi32, #tpu.memory_space<hbm>>
        tpu.enqueue_indirect_dma source(%dma_start3A_232 : memref<10000x64xi32, #tpu.memory_space<hbm>>) target(%arg10 : memref<64x64xi32, #tpu.memory_space<vmem>>) offsets(%dma_start3A_229 : memref<64xi32, #tpu.memory_space<vmem>>) semaphore(%arg18 : memref<!tpu.dma_semaphore, #tpu.memory_space<semaphore_mem>>)
      } else {
      }
      %add3A_179 = arith.constant 2 : i32
      %add3A_180 = arith.addi %mul3A_95, %add3A_179 : i32
      %mul3A_181 = arith.constant 64 : i32
      %mul3A_182 = arith.muli %add3A_180, %mul3A_181 : i32
      %dma_wait3A_183 = tpu.memref_slice %arg6[%mul3A_182] : memref<20192xi32, #tpu.memory_space<vmem>> -> memref<64xi32, #tpu.memory_space<vmem>>
      %dma_wait3A_184 = arith.constant 0 : i32
      %dma_wait3A_185 = arith.constant 0 : i32
      %dma_wait3A_186 = tpu.memref_slice %arg2[%dma_wait3A_184, %dma_wait3A_185] : memref<10000x64xi32, #tpu.memory_space<hbm>> -> memref<10000x64xi32, #tpu.memory_space<hbm>>
      tpu.wait_indirect_dma semaphore(%arg19 : memref<!tpu.dma_semaphore, #tpu.memory_space<semaphore_mem>>) src(%dma_wait3A_186 : memref<10000x64xi32, #tpu.memory_space<hbm>>) dst(%arg11 : memref<64x64xi32, #tpu.memory_space<vmem>>)
      %add3A_187 = arith.constant 2 : i32
      %add3A_188 = arith.addi %mul3A_95, %add3A_187 : i32
      %ge3A_189 = arith.constant 3 : i32
      %ge3A_190 = arith.cmpi sge, %add3A_188, %ge3A_189 : i32
      %convert_element_type3A_191 = arith.extui %ge3A_190 : i1 to i32
      %cond3A_192 = arith.constant 0 : i32
      %cond3A_193 = arith.cmpi ne, %convert_element_type3A_191, %cond3A_192 : i32
      scf.if %cond3A_193 {
        %dma_wait3A_223 = arith.constant 2 : i32
        %dma_wait3A_224 = arith.constant 0 : i32
        %dma_wait3A_225 = tpu.memref_slice %arg8[%dma_wait3A_223, %dma_wait3A_224] : memref<3x64xi32, #tpu.memory_space<vmem>> -> memref<1x64xi32, #tpu.memory_space<vmem>>
        %dma_wait3A_226 = tpu.memref_squeeze %dma_wait3A_225 : memref<1x64xi32, #tpu.memory_space<vmem>> -> memref<64xi32, #tpu.memory_space<vmem>>
        %dma_wait3A_227 = arith.constant 0 : i32
        %dma_wait3A_228 = arith.constant 0 : i32
        %dma_wait3A_229 = tpu.memref_slice %arg16[%dma_wait3A_227, %dma_wait3A_228] : memref<5632x128xf32, #tpu.memory_space<vmem_shared>> -> memref<5632x128xf32, #tpu.memory_space<vmem_shared>>
        tpu.wait_indirect_dma semaphore(%arg22 : memref<!tpu.dma_semaphore, #tpu.memory_space<semaphore_mem>>) src(%arg14 : memref<64x128xf32, #tpu.memory_space<vmem>>) dst(%dma_wait3A_229 : memref<5632x128xf32, #tpu.memory_space<vmem_shared>>)
      } else {
      }
      %broadcast_in_dim3A_194 = arith.constant -65536 : i32
      %broadcast_in_dim3A_195 = vector.broadcast %broadcast_in_dim3A_194 : i32 to vector<16xi32>
      %scan3A_196 = arith.constant 0 : i32
      %scan3A_197 = arith.constant 64 : i32
      %scan3A_198 = arith.addi %scan3A_196, %scan3A_197 : i32
      %scan3A_199 = arith.constant 1 : i32
      scf.for %scan3A_223 = %scan3A_196 to %scan3A_198 step %scan3A_199  : i32 {
        %mul3A_224 = arith.constant 1 : i32
        %mul3A_225 = arith.muli %scan3A_223, %mul3A_224 : i32
        %add3A_226 = arith.constant 0 : i32
        %add3A_227 = arith.addi %add3A_226, %mul3A_225 : i32
        %get3A = arith.index_cast %add3A_227 : i32 to index
        %get3A_228 = arith.constant 0 : index
        %get3A_229 = tpu.vector_load %arg11[%get3A, %get3A_228] {strides = array<i32>} : memref<64x64xi32, #tpu.memory_space<vmem>>, vector<16xi32>,
        %shift_left3A = arith.constant 16 : i32
        %shift_left3A_230 = vector.broadcast %shift_left3A : i32 to vector<16xi32>
        %shift_left3A_231 = arith.shli %get3A_229, %shift_left3A_230 : vector<16xi32>
        %bitcast3A = vector.bitcast %shift_left3A_231 : vector<16xi32> to vector<16xf32>
        %and3A_232 = arith.andi %get3A_229, %broadcast_in_dim3A_195 : vector<16xi32>
        %bitcast3A_233 = vector.bitcast %and3A_232 : vector<16xi32> to vector<16xf32>
        %swap3A = arith.index_cast %add3A_227 : i32 to index
        %swap3A_234 = arith.constant 0 : index
        %swap3A_235 = tpu.vector_load %arg14[%swap3A, %swap3A_234] {strides = array<i32>} : memref<64x128xf32, #tpu.memory_space<vmem>>, vector<16xf32>,
        tpu.vector_store %arg14[%swap3A, %swap3A_234], %bitcast3A {strides = array<i32>} : memref<64x128xf32, #tpu.memory_space<vmem>>, vector<16xf32>,
        %swap3A_236 = arith.index_cast %add3A_227 : i32 to index
        %swap3A_237 = arith.constant 64 : index
        %swap3A_238 = tpu.vector_load %arg14[%swap3A_236, %swap3A_237] {strides = array<i32>} : memref<64x128xf32, #tpu.memory_space<vmem>>, vector<16xf32>,
        tpu.vector_store %arg14[%swap3A_236, %swap3A_237], %bitcast3A_233 {strides = array<i32>} : memref<64x128xf32, #tpu.memory_space<vmem>>, vector<16xf32>,
        %get3A_239 = arith.index_cast %add3A_227 : i32 to index
        %get3A_240 = arith.constant 16 : index
        %get3A_241 = tpu.vector_load %arg11[%get3A_239, %get3A_240] {strides = array<i32>} : memref<64x64xi32, #tpu.memory_space<vmem>>, vector<16xi32>,
        %shift_left3A_242 = arith.constant 16 : i32
        %shift_left3A_243 = vector.broadcast %shift_left3A_242 : i32 to vector<16xi32>
        %shift_left3A_244 = arith.shli %get3A_241, %shift_left3A_243 : vector<16xi32>
        %bitcast3A_245 = vector.bitcast %shift_left3A_244 : vector<16xi32> to vector<16xf32>
        %and3A_246 = arith.andi %get3A_241, %broadcast_in_dim3A_195 : vector<16xi32>
        %bitcast3A_247 = vector.bitcast %and3A_246 : vector<16xi32> to vector<16xf32>
        %swap3A_248 = arith.index_cast %add3A_227 : i32 to index
        %swap3A_249 = arith.constant 16 : index
        %swap3A_250 = tpu.vector_load %arg14[%swap3A_248, %swap3A_249] {strides = array<i32>} : memref<64x128xf32, #tpu.memory_space<vmem>>, vector<16xf32>,
        tpu.vector_store %arg14[%swap3A_248, %swap3A_249], %bitcast3A_245 {strides = array<i32>} : memref<64x128xf32, #tpu.memory_space<vmem>>, vector<16xf32>,
        %swap3A_251 = arith.index_cast %add3A_227 : i32 to index
        %swap3A_252 = arith.constant 80 : index
        %swap3A_253 = tpu.vector_load %arg14[%swap3A_251, %swap3A_252] {strides = array<i32>} : memref<64x128xf32, #tpu.memory_space<vmem>>, vector<16xf32>,
        tpu.vector_store %arg14[%swap3A_251, %swap3A_252], %bitcast3A_247 {strides = array<i32>} : memref<64x128xf32, #tpu.memory_space<vmem>>, vector<16xf32>,
        %get3A_254 = arith.index_cast %add3A_227 : i32 to index
        %get3A_255 = arith.constant 32 : index
        %get3A_256 = tpu.vector_load %arg11[%get3A_254, %get3A_255] {strides = array<i32>} : memref<64x64xi32, #tpu.memory_space<vmem>>, vector<16xi32>,
        %shift_left3A_257 = arith.constant 16 : i32
        %shift_left3A_258 = vector.broadcast %shift_left3A_257 : i32 to vector<16xi32>
        %shift_left3A_259 = arith.shli %get3A_256, %shift_left3A_258 : vector<16xi32>
        %bitcast3A_260 = vector.bitcast %shift_left3A_259 : vector<16xi32> to vector<16xf32>
        %and3A_261 = arith.andi %get3A_256, %broadcast_in_dim3A_195 : vector<16xi32>
        %bitcast3A_262 = vector.bitcast %and3A_261 : vector<16xi32> to vector<16xf32>
        %swap3A_263 = arith.index_cast %add3A_227 : i32 to index
        %swap3A_264 = arith.constant 32 : index
        %swap3A_265 = tpu.vector_load %arg14[%swap3A_263, %swap3A_264] {strides = array<i32>} : memref<64x128xf32, #tpu.memory_space<vmem>>, vector<16xf32>,
        tpu.vector_store %arg14[%swap3A_263, %swap3A_264], %bitcast3A_260 {strides = array<i32>} : memref<64x128xf32, #tpu.memory_space<vmem>>, vector<16xf32>,
        %swap3A_266 = arith.index_cast %add3A_227 : i32 to index
        %swap3A_267 = arith.constant 96 : index
        %swap3A_268 = tpu.vector_load %arg14[%swap3A_266, %swap3A_267] {strides = array<i32>} : memref<64x128xf32, #tpu.memory_space<vmem>>, vector<16xf32>,
        tpu.vector_store %arg14[%swap3A_266, %swap3A_267], %bitcast3A_262 {strides = array<i32>} : memref<64x128xf32, #tpu.memory_space<vmem>>, vector<16xf32>,
        %get3A_269 = arith.index_cast %add3A_227 : i32 to index
        %get3A_270 = arith.constant 48 : index
        %get3A_271 = tpu.vector_load %arg11[%get3A_269, %get3A_270] {strides = array<i32>} : memref<64x64xi32, #tpu.memory_space<vmem>>, vector<16xi32>,
        %shift_left3A_272 = arith.constant 16 : i32
        %shift_left3A_273 = vector.broadcast %shift_left3A_272 : i32 to vector<16xi32>
        %shift_left3A_274 = arith.shli %get3A_271, %shift_left3A_273 : vector<16xi32>
        %bitcast3A_275 = vector.bitcast %shift_left3A_274 : vector<16xi32> to vector<16xf32>
        %and3A_276 = arith.andi %get3A_271, %broadcast_in_dim3A_195 : vector<16xi32>
        %bitcast3A_277 = vector.bitcast %and3A_276 : vector<16xi32> to vector<16xf32>
        %swap3A_278 = arith.index_cast %add3A_227 : i32 to index
        %swap3A_279 = arith.constant 48 : index
        %swap3A_280 = tpu.vector_load %arg14[%swap3A_278, %swap3A_279] {strides = array<i32>} : memref<64x128xf32, #tpu.memory_space<vmem>>, vector<16xf32>,
        tpu.vector_store %arg14[%swap3A_278, %swap3A_279], %bitcast3A_275 {strides = array<i32>} : memref<64x128xf32, #tpu.memory_space<vmem>>, vector<16xf32>,
        %swap3A_281 = arith.index_cast %add3A_227 : i32 to index
        %swap3A_282 = arith.constant 112 : index
        %swap3A_283 = tpu.vector_load %arg14[%swap3A_281, %swap3A_282] {strides = array<i32>} : memref<64x128xf32, #tpu.memory_space<vmem>>, vector<16xf32>,
        tpu.vector_store %arg14[%swap3A_281, %swap3A_282], %bitcast3A_277 {strides = array<i32>} : memref<64x128xf32, #tpu.memory_space<vmem>>, vector<16xf32>,
      }
      %scan3A_200 = arith.constant 64 : i32
      %add3A_201 = arith.constant 2 : i32
      %add3A_202 = arith.addi %mul3A_95, %add3A_201 : i32
      %scan3A_203 = arith.constant 0 : i32
      %scan3A_204 = arith.constant 4 : i32
      %scan3A_205 = arith.addi %scan3A_203, %scan3A_204 : i32
      %scan3A_206 = arith.constant 1 : i32
      scf.for %scan3A_223 = %scan3A_203 to %scan3A_205 step %scan3A_206  : i32 {
        %mul3A_224 = arith.constant 16 : i32
        %mul3A_225 = arith.muli %scan3A_223, %mul3A_224 : i32
        %add3A_226 = arith.constant 0 : i32
        %add3A_227 = arith.addi %add3A_226, %mul3A_225 : i32
        %mul3A_228 = arith.constant 64 : i32
        %mul3A_229 = arith.muli %add3A_202, %mul3A_228 : i32
        %add3A_230 = arith.addi %mul3A_229, %add3A_227 : i32
        %get3A = arith.index_cast %add3A_230 : i32 to index
        %get3A_231 = tpu.vector_load %arg7[%get3A] {strides = array<i32>} : memref<20192xi32, #tpu.memory_space<vmem>>, vector<16xi32>,
        %swap3A = arith.constant 2 : i32
        %swap3A_232 = arith.index_cast %swap3A : i32 to index
        %swap3A_233 = arith.index_cast %add3A_227 : i32 to index
        %swap3A_234 = tpu.vector_load %arg8[%swap3A_232, %swap3A_233] {strides = array<i32>} : memref<3x64xi32, #tpu.memory_space<vmem>>, vector<16xi32>,
        tpu.vector_store %arg8[%swap3A_232, %swap3A_233], %get3A_231 {strides = array<i32>} : memref<3x64xi32, #tpu.memory_space<vmem>>, vector<16xi32>,
      }
      %scan3A_207 = arith.constant 4 : i32
      %dma_start3A_208 = arith.constant 2 : i32
      %dma_start3A_209 = arith.constant 0 : i32
      %dma_start3A_210 = tpu.memref_slice %arg8[%dma_start3A_208, %dma_start3A_209] : memref<3x64xi32, #tpu.memory_space<vmem>> -> memref<1x64xi32, #tpu.memory_space<vmem>>
      %dma_start3A_211 = tpu.memref_squeeze %dma_start3A_210 : memref<1x64xi32, #tpu.memory_space<vmem>> -> memref<64xi32, #tpu.memory_space<vmem>>
      %dma_start3A_212 = arith.constant 0 : i32
      %dma_start3A_213 = arith.constant 0 : i32
      %dma_start3A_214 = tpu.memref_slice %arg16[%dma_start3A_212, %dma_start3A_213] : memref<5632x128xf32, #tpu.memory_space<vmem_shared>> -> memref<5632x128xf32, #tpu.memory_space<vmem_shared>>
      tpu.enqueue_indirect_dma source(%arg14 : memref<64x128xf32, #tpu.memory_space<vmem>>) target(%dma_start3A_214 : memref<5632x128xf32, #tpu.memory_space<vmem_shared>>) offsets(%dma_start3A_211 : memref<64xi32, #tpu.memory_space<vmem>>) semaphore(%arg22 : memref<!tpu.dma_semaphore, #tpu.memory_space<semaphore_mem>>) {add = true}
      %add3A_215 = arith.constant 2 : i32
      %add3A_216 = arith.addi %mul3A_95, %add3A_215 : i32
      %add3A_217 = arith.constant 3 : i32
      %add3A_218 = arith.addi %add3A_216, %add3A_217 : i32
      %lt3A_219 = arith.cmpi slt, %add3A_218, %mul3A_44 : i32
      %convert_element_type3A_220 = arith.extui %lt3A_219 : i1 to i32
      %cond3A_221 = arith.constant 0 : i32
      %cond3A_222 = arith.cmpi ne, %convert_element_type3A_220, %cond3A_221 : i32
      scf.if %cond3A_222 {
        %add3A_223 = arith.constant 2 : i32
        %add3A_224 = arith.addi %mul3A_95, %add3A_223 : i32
        %add3A_225 = arith.constant 3 : i32
        %add3A_226 = arith.addi %add3A_224, %add3A_225 : i32
        %mul3A_227 = arith.constant 64 : i32
        %mul3A_228 = arith.muli %add3A_226, %mul3A_227 : i32
        %dma_start3A_229 = tpu.memref_slice %arg6[%mul3A_228] : memref<20192xi32, #tpu.memory_space<vmem>> -> memref<64xi32, #tpu.memory_space<vmem>>
        %dma_start3A_230 = arith.constant 0 : i32
        %dma_start3A_231 = arith.constant 0 : i32
        %dma_start3A_232 = tpu.memref_slice %arg2[%dma_start3A_230, %dma_start3A_231] : memref<10000x64xi32, #tpu.memory_space<hbm>> -> memref<10000x64xi32, #tpu.memory_space<hbm>>
        tpu.enqueue_indirect_dma source(%dma_start3A_232 : memref<10000x64xi32, #tpu.memory_space<hbm>>) target(%arg11 : memref<64x64xi32, #tpu.memory_space<vmem>>) offsets(%dma_start3A_229 : memref<64xi32, #tpu.memory_space<vmem>>) semaphore(%arg19 : memref<!tpu.dma_semaphore, #tpu.memory_space<semaphore_mem>>)
      } else {
      }
    }
    %while3A_67 = arith.constant 1 : i32
    scf.for %while3A_93 = %while3A_65 to %while3A_61 step %while3A_67  : i32 {
      %mul3A_94 = arith.constant 3 : i32
      %mul3A_95 = arith.muli %while3A_93, %mul3A_94 : i32
      %add3A_96 = arith.constant 0 : i32
      %add3A_97 = arith.addi %mul3A_95, %add3A_96 : i32
      %mul3A_98 = arith.constant 64 : i32
      %mul3A_99 = arith.muli %add3A_97, %mul3A_98 : i32
      %dma_wait3A_100 = tpu.memref_slice %arg6[%mul3A_99] : memref<20192xi32, #tpu.memory_space<vmem>> -> memref<64xi32, #tpu.memory_space<vmem>>
      %dma_wait3A_101 = arith.constant 0 : i32
      %dma_wait3A_102 = arith.constant 0 : i32
      %dma_wait3A_103 = tpu.memref_slice %arg2[%dma_wait3A_101, %dma_wait3A_102] : memref<10000x64xi32, #tpu.memory_space<hbm>> -> memref<10000x64xi32, #tpu.memory_space<hbm>>
      tpu.wait_indirect_dma semaphore(%arg17 : memref<!tpu.dma_semaphore, #tpu.memory_space<semaphore_mem>>) src(%dma_wait3A_103 : memref<10000x64xi32, #tpu.memory_space<hbm>>) dst(%arg9 : memref<64x64xi32, #tpu.memory_space<vmem>>)
      %add3A_104 = arith.constant 0 : i32
      %add3A_105 = arith.addi %mul3A_95, %add3A_104 : i32
      %ge3A = arith.constant 3 : i32
      %ge3A_106 = arith.cmpi sge, %add3A_105, %ge3A : i32
      %convert_element_type3A = arith.extui %ge3A_106 : i1 to i32
      %cond3A = arith.constant 0 : i32
      %cond3A_107 = arith.cmpi ne, %convert_element_type3A, %cond3A : i32
      scf.if %cond3A_107 {
        %dma_wait3A_223 = arith.constant 0 : i32
        %dma_wait3A_224 = arith.constant 0 : i32
        %dma_wait3A_225 = tpu.memref_slice %arg8[%dma_wait3A_223, %dma_wait3A_224] : memref<3x64xi32, #tpu.memory_space<vmem>> -> memref<1x64xi32, #tpu.memory_space<vmem>>
        %dma_wait3A_226 = tpu.memref_squeeze %dma_wait3A_225 : memref<1x64xi32, #tpu.memory_space<vmem>> -> memref<64xi32, #tpu.memory_space<vmem>>
        %dma_wait3A_227 = arith.constant 0 : i32
        %dma_wait3A_228 = arith.constant 0 : i32
        %dma_wait3A_229 = tpu.memref_slice %arg16[%dma_wait3A_227, %dma_wait3A_228] : memref<5632x128xf32, #tpu.memory_space<vmem_shared>> -> memref<5632x128xf32, #tpu.memory_space<vmem_shared>>
        tpu.wait_indirect_dma semaphore(%arg20 : memref<!tpu.dma_semaphore, #tpu.memory_space<semaphore_mem>>) src(%arg12 : memref<64x128xf32, #tpu.memory_space<vmem>>) dst(%dma_wait3A_229 : memref<5632x128xf32, #tpu.memory_space<vmem_shared>>)
      } else {
      }
      %broadcast_in_dim3A = arith.constant -65536 : i32
      %broadcast_in_dim3A_108 = vector.broadcast %broadcast_in_dim3A : i32 to vector<16xi32>
      %scan3A_109 = arith.constant 0 : i32
      %scan3A_110 = arith.constant 64 : i32
      %scan3A_111 = arith.addi %scan3A_109, %scan3A_110 : i32
      %scan3A_112 = arith.constant 1 : i32
      scf.for %scan3A_223 = %scan3A_109 to %scan3A_111 step %scan3A_112  : i32 {
        %mul3A_224 = arith.constant 1 : i32
        %mul3A_225 = arith.muli %scan3A_223, %mul3A_224 : i32
        %add3A_226 = arith.constant 0 : i32
        %add3A_227 = arith.addi %add3A_226, %mul3A_225 : i32
        %get3A = arith.index_cast %add3A_227 : i32 to index
        %get3A_228 = arith.constant 0 : index
        %get3A_229 = tpu.vector_load %arg9[%get3A, %get3A_228] {strides = array<i32>} : memref<64x64xi32, #tpu.memory_space<vmem>>, vector<16xi32>,
        %shift_left3A = arith.constant 16 : i32
        %shift_left3A_230 = vector.broadcast %shift_left3A : i32 to vector<16xi32>
        %shift_left3A_231 = arith.shli %get3A_229, %shift_left3A_230 : vector<16xi32>
        %bitcast3A = vector.bitcast %shift_left3A_231 : vector<16xi32> to vector<16xf32>
        %and3A_232 = arith.andi %get3A_229, %broadcast_in_dim3A_108 : vector<16xi32>
        %bitcast3A_233 = vector.bitcast %and3A_232 : vector<16xi32> to vector<16xf32>
        %swap3A = arith.index_cast %add3A_227 : i32 to index
        %swap3A_234 = arith.constant 0 : index
        %swap3A_235 = tpu.vector_load %arg12[%swap3A, %swap3A_234] {strides = array<i32>} : memref<64x128xf32, #tpu.memory_space<vmem>>, vector<16xf32>,
        tpu.vector_store %arg12[%swap3A, %swap3A_234], %bitcast3A {strides = array<i32>} : memref<64x128xf32, #tpu.memory_space<vmem>>, vector<16xf32>,
        %swap3A_236 = arith.index_cast %add3A_227 : i32 to index
        %swap3A_237 = arith.constant 64 : index
        %swap3A_238 = tpu.vector_load %arg12[%swap3A_236, %swap3A_237] {strides = array<i32>} : memref<64x128xf32, #tpu.memory_space<vmem>>, vector<16xf32>,
        tpu.vector_store %arg12[%swap3A_236, %swap3A_237], %bitcast3A_233 {strides = array<i32>} : memref<64x128xf32, #tpu.memory_space<vmem>>, vector<16xf32>,
        %get3A_239 = arith.index_cast %add3A_227 : i32 to index
        %get3A_240 = arith.constant 16 : index
        %get3A_241 = tpu.vector_load %arg9[%get3A_239, %get3A_240] {strides = array<i32>} : memref<64x64xi32, #tpu.memory_space<vmem>>, vector<16xi32>,
        %shift_left3A_242 = arith.constant 16 : i32
        %shift_left3A_243 = vector.broadcast %shift_left3A_242 : i32 to vector<16xi32>
        %shift_left3A_244 = arith.shli %get3A_241, %shift_left3A_243 : vector<16xi32>
        %bitcast3A_245 = vector.bitcast %shift_left3A_244 : vector<16xi32> to vector<16xf32>
        %and3A_246 = arith.andi %get3A_241, %broadcast_in_dim3A_108 : vector<16xi32>
        %bitcast3A_247 = vector.bitcast %and3A_246 : vector<16xi32> to vector<16xf32>
        %swap3A_248 = arith.index_cast %add3A_227 : i32 to index
        %swap3A_249 = arith.constant 16 : index
        %swap3A_250 = tpu.vector_load %arg12[%swap3A_248, %swap3A_249] {strides = array<i32>} : memref<64x128xf32, #tpu.memory_space<vmem>>, vector<16xf32>,
        tpu.vector_store %arg12[%swap3A_248, %swap3A_249], %bitcast3A_245 {strides = array<i32>} : memref<64x128xf32, #tpu.memory_space<vmem>>, vector<16xf32>,
        %swap3A_251 = arith.index_cast %add3A_227 : i32 to index
        %swap3A_252 = arith.constant 80 : index
        %swap3A_253 = tpu.vector_load %arg12[%swap3A_251, %swap3A_252] {strides = array<i32>} : memref<64x128xf32, #tpu.memory_space<vmem>>, vector<16xf32>,
        tpu.vector_store %arg12[%swap3A_251, %swap3A_252], %bitcast3A_247 {strides = array<i32>} : memref<64x128xf32, #tpu.memory_space<vmem>>, vector<16xf32>,
        %get3A_254 = arith.index_cast %add3A_227 : i32 to index
        %get3A_255 = arith.constant 32 : index
        %get3A_256 = tpu.vector_load %arg9[%get3A_254, %get3A_255] {strides = array<i32>} : memref<64x64xi32, #tpu.memory_space<vmem>>, vector<16xi32>,
        %shift_left3A_257 = arith.constant 16 : i32
        %shift_left3A_258 = vector.broadcast %shift_left3A_257 : i32 to vector<16xi32>
        %shift_left3A_259 = arith.shli %get3A_256, %shift_left3A_258 : vector<16xi32>
        %bitcast3A_260 = vector.bitcast %shift_left3A_259 : vector<16xi32> to vector<16xf32>
        %and3A_261 = arith.andi %get3A_256, %broadcast_in_dim3A_108 : vector<16xi32>
        %bitcast3A_262 = vector.bitcast %and3A_261 : vector<16xi32> to vector<16xf32>
        %swap3A_263 = arith.index_cast %add3A_227 : i32 to index
        %swap3A_264 = arith.constant 32 : index
        %swap3A_265 = tpu.vector_load %arg12[%swap3A_263, %swap3A_264] {strides = array<i32>} : memref<64x128xf32, #tpu.memory_space<vmem>>, vector<16xf32>,
        tpu.vector_store %arg12[%swap3A_263, %swap3A_264], %bitcast3A_260 {strides = array<i32>} : memref<64x128xf32, #tpu.memory_space<vmem>>, vector<16xf32>,
        %swap3A_266 = arith.index_cast %add3A_227 : i32 to index
        %swap3A_267 = arith.constant 96 : index
        %swap3A_268 = tpu.vector_load %arg12[%swap3A_266, %swap3A_267] {strides = array<i32>} : memref<64x128xf32, #tpu.memory_space<vmem>>, vector<16xf32>,
        tpu.vector_store %arg12[%swap3A_266, %swap3A_267], %bitcast3A_262 {strides = array<i32>} : memref<64x128xf32, #tpu.memory_space<vmem>>, vector<16xf32>,
        %get3A_269 = arith.index_cast %add3A_227 : i32 to index
        %get3A_270 = arith.constant 48 : index
        %get3A_271 = tpu.vector_load %arg9[%get3A_269, %get3A_270] {strides = array<i32>} : memref<64x64xi32, #tpu.memory_space<vmem>>, vector<16xi32>,
        %shift_left3A_272 = arith.constant 16 : i32
        %shift_left3A_273 = vector.broadcast %shift_left3A_272 : i32 to vector<16xi32>
        %shift_left3A_274 = arith.shli %get3A_271, %shift_left3A_273 : vector<16xi32>
        %bitcast3A_275 = vector.bitcast %shift_left3A_274 : vector<16xi32> to vector<16xf32>
        %and3A_276 = arith.andi %get3A_271, %broadcast_in_dim3A_108 : vector<16xi32>
        %bitcast3A_277 = vector.bitcast %and3A_276 : vector<16xi32> to vector<16xf32>
        %swap3A_278 = arith.index_cast %add3A_227 : i32 to index
        %swap3A_279 = arith.constant 48 : index
        %swap3A_280 = tpu.vector_load %arg12[%swap3A_278, %swap3A_279] {strides = array<i32>} : memref<64x128xf32, #tpu.memory_space<vmem>>, vector<16xf32>,
        tpu.vector_store %arg12[%swap3A_278, %swap3A_279], %bitcast3A_275 {strides = array<i32>} : memref<64x128xf32, #tpu.memory_space<vmem>>, vector<16xf32>,
        %swap3A_281 = arith.index_cast %add3A_227 : i32 to index
        %swap3A_282 = arith.constant 112 : index
        %swap3A_283 = tpu.vector_load %arg12[%swap3A_281, %swap3A_282] {strides = array<i32>} : memref<64x128xf32, #tpu.memory_space<vmem>>, vector<16xf32>,
        tpu.vector_store %arg12[%swap3A_281, %swap3A_282], %bitcast3A_277 {strides = array<i32>} : memref<64x128xf32, #tpu.memory_space<vmem>>, vector<16xf32>,
      }
      %scan3A_113 = arith.constant 64 : i32
      %add3A_114 = arith.constant 0 : i32
      %add3A_115 = arith.addi %mul3A_95, %add3A_114 : i32
      %scan3A_116 = arith.constant 0 : i32
      %scan3A_117 = arith.constant 4 : i32
      %scan3A_118 = arith.addi %scan3A_116, %scan3A_117 : i32
      %scan3A_119 = arith.constant 1 : i32
      scf.for %scan3A_223 = %scan3A_116 to %scan3A_118 step %scan3A_119  : i32 {
        %mul3A_224 = arith.constant 16 : i32
        %mul3A_225 = arith.muli %scan3A_223, %mul3A_224 : i32
        %add3A_226 = arith.constant 0 : i32
        %add3A_227 = arith.addi %add3A_226, %mul3A_225 : i32
        %mul3A_228 = arith.constant 64 : i32
        %mul3A_229 = arith.muli %add3A_115, %mul3A_228 : i32
        %add3A_230 = arith.addi %mul3A_229, %add3A_227 : i32
        %get3A = arith.index_cast %add3A_230 : i32 to index
        %get3A_231 = tpu.vector_load %arg7[%get3A] {strides = array<i32>} : memref<20192xi32, #tpu.memory_space<vmem>>, vector<16xi32>,
        %swap3A = arith.constant 0 : i32
        %swap3A_232 = arith.index_cast %swap3A : i32 to index
        %swap3A_233 = arith.index_cast %add3A_227 : i32 to index
        %swap3A_234 = tpu.vector_load %arg8[%swap3A_232, %swap3A_233] {strides = array<i32>} : memref<3x64xi32, #tpu.memory_space<vmem>>, vector<16xi32>,
        tpu.vector_store %arg8[%swap3A_232, %swap3A_233], %get3A_231 {strides = array<i32>} : memref<3x64xi32, #tpu.memory_space<vmem>>, vector<16xi32>,
      }
      %scan3A_120 = arith.constant 4 : i32
      %dma_start3A_121 = arith.constant 0 : i32
      %dma_start3A_122 = arith.constant 0 : i32
      %dma_start3A_123 = tpu.memref_slice %arg8[%dma_start3A_121, %dma_start3A_122] : memref<3x64xi32, #tpu.memory_space<vmem>> -> memref<1x64xi32, #tpu.memory_space<vmem>>
      %dma_start3A_124 = tpu.memref_squeeze %dma_start3A_123 : memref<1x64xi32, #tpu.memory_space<vmem>> -> memref<64xi32, #tpu.memory_space<vmem>>
      %dma_start3A_125 = arith.constant 0 : i32
      %dma_start3A_126 = arith.constant 0 : i32
      %dma_start3A_127 = tpu.memref_slice %arg16[%dma_start3A_125, %dma_start3A_126] : memref<5632x128xf32, #tpu.memory_space<vmem_shared>> -> memref<5632x128xf32, #tpu.memory_space<vmem_shared>>
      tpu.enqueue_indirect_dma source(%arg12 : memref<64x128xf32, #tpu.memory_space<vmem>>) target(%dma_start3A_127 : memref<5632x128xf32, #tpu.memory_space<vmem_shared>>) offsets(%dma_start3A_124 : memref<64xi32, #tpu.memory_space<vmem>>) semaphore(%arg20 : memref<!tpu.dma_semaphore, #tpu.memory_space<semaphore_mem>>) {add = true}
      %add3A_128 = arith.constant 0 : i32
      %add3A_129 = arith.addi %mul3A_95, %add3A_128 : i32
      %add3A_130 = arith.constant 3 : i32
      %add3A_131 = arith.addi %add3A_129, %add3A_130 : i32
      %lt3A = arith.cmpi slt, %add3A_131, %mul3A_44 : i32
      %convert_element_type3A_132 = arith.extui %lt3A : i1 to i32
      %cond3A_133 = arith.constant 0 : i32
      %cond3A_134 = arith.cmpi ne, %convert_element_type3A_132, %cond3A_133 : i32
      scf.if %cond3A_134 {
        %add3A_223 = arith.constant 0 : i32
        %add3A_224 = arith.addi %mul3A_95, %add3A_223 : i32
        %add3A_225 = arith.constant 3 : i32
        %add3A_226 = arith.addi %add3A_224, %add3A_225 : i32
        %mul3A_227 = arith.constant 64 : i32
        %mul3A_228 = arith.muli %add3A_226, %mul3A_227 : i32
        %dma_start3A_229 = tpu.memref_slice %arg6[%mul3A_228] : memref<20192xi32, #tpu.memory_space<vmem>> -> memref<64xi32, #tpu.memory_space<vmem>>
        %dma_start3A_230 = arith.constant 0 : i32
        %dma_start3A_231 = arith.constant 0 : i32
        %dma_start3A_232 = tpu.memref_slice %arg2[%dma_start3A_230, %dma_start3A_231] : memref<10000x64xi32, #tpu.memory_space<hbm>> -> memref<10000x64xi32, #tpu.memory_space<hbm>>
        tpu.enqueue_indirect_dma source(%dma_start3A_232 : memref<10000x64xi32, #tpu.memory_space<hbm>>) target(%arg9 : memref<64x64xi32, #tpu.memory_space<vmem>>) offsets(%dma_start3A_229 : memref<64xi32, #tpu.memory_space<vmem>>) semaphore(%arg17 : memref<!tpu.dma_semaphore, #tpu.memory_space<semaphore_mem>>)
      } else {
      }
      %add3A_135 = arith.constant 1 : i32
      %add3A_136 = arith.addi %mul3A_95, %add3A_135 : i32
      %mul3A_137 = arith.constant 64 : i32
      %mul3A_138 = arith.muli %add3A_136, %mul3A_137 : i32
      %dma_wait3A_139 = tpu.memref_slice %arg6[%mul3A_138] : memref<20192xi32, #tpu.memory_space<vmem>> -> memref<64xi32, #tpu.memory_space<vmem>>
      %dma_wait3A_140 = arith.constant 0 : i32
      %dma_wait3A_141 = arith.constant 0 : i32
      %dma_wait3A_142 = tpu.memref_slice %arg2[%dma_wait3A_140, %dma_wait3A_141] : memref<10000x64xi32, #tpu.memory_space<hbm>> -> memref<10000x64xi32, #tpu.memory_space<hbm>>
      tpu.wait_indirect_dma semaphore(%arg18 : memref<!tpu.dma_semaphore, #tpu.memory_space<semaphore_mem>>) src(%dma_wait3A_142 : memref<10000x64xi32, #tpu.memory_space<hbm>>) dst(%arg10 : memref<64x64xi32, #tpu.memory_space<vmem>>)
      %add3A_143 = arith.constant 1 : i32
      %add3A_144 = arith.addi %mul3A_95, %add3A_143 : i32
      %ge3A_145 = arith.constant 3 : i32
      %ge3A_146 = arith.cmpi sge, %add3A_144, %ge3A_145 : i32
      %convert_element_type3A_147 = arith.extui %ge3A_146 : i1 to i32
      %cond3A_148 = arith.constant 0 : i32
      %cond3A_149 = arith.cmpi ne, %convert_element_type3A_147, %cond3A_148 : i32
      scf.if %cond3A_149 {
        %dma_wait3A_223 = arith.constant 1 : i32
        %dma_wait3A_224 = arith.constant 0 : i32
        %dma_wait3A_225 = tpu.memref_slice %arg8[%dma_wait3A_223, %dma_wait3A_224] : memref<3x64xi32, #tpu.memory_space<vmem>> -> memref<1x64xi32, #tpu.memory_space<vmem>>
        %dma_wait3A_226 = tpu.memref_squeeze %dma_wait3A_225 : memref<1x64xi32, #tpu.memory_space<vmem>> -> memref<64xi32, #tpu.memory_space<vmem>>
        %dma_wait3A_227 = arith.constant 0 : i32
        %dma_wait3A_228 = arith.constant 0 : i32
        %dma_wait3A_229 = tpu.memref_slice %arg16[%dma_wait3A_227, %dma_wait3A_228] : memref<5632x128xf32, #tpu.memory_space<vmem_shared>> -> memref<5632x128xf32, #tpu.memory_space<vmem_shared>>
        tpu.wait_indirect_dma semaphore(%arg21 : memref<!tpu.dma_semaphore, #tpu.memory_space<semaphore_mem>>) src(%arg13 : memref<64x128xf32, #tpu.memory_space<vmem>>) dst(%dma_wait3A_229 : memref<5632x128xf32, #tpu.memory_space<vmem_shared>>)
      } else {
      }
      %broadcast_in_dim3A_150 = arith.constant -65536 : i32
      %broadcast_in_dim3A_151 = vector.broadcast %broadcast_in_dim3A_150 : i32 to vector<16xi32>
      %scan3A_152 = arith.constant 0 : i32
      %scan3A_153 = arith.constant 64 : i32
      %scan3A_154 = arith.addi %scan3A_152, %scan3A_153 : i32
      %scan3A_155 = arith.constant 1 : i32
      scf.for %scan3A_223 = %scan3A_152 to %scan3A_154 step %scan3A_155  : i32 {
        %mul3A_224 = arith.constant 1 : i32
        %mul3A_225 = arith.muli %scan3A_223, %mul3A_224 : i32
        %add3A_226 = arith.constant 0 : i32
        %add3A_227 = arith.addi %add3A_226, %mul3A_225 : i32
        %get3A = arith.index_cast %add3A_227 : i32 to index
        %get3A_228 = arith.constant 0 : index
        %get3A_229 = tpu.vector_load %arg10[%get3A, %get3A_228] {strides = array<i32>} : memref<64x64xi32, #tpu.memory_space<vmem>>, vector<16xi32>,
        %shift_left3A = arith.constant 16 : i32
        %shift_left3A_230 = vector.broadcast %shift_left3A : i32 to vector<16xi32>
        %shift_left3A_231 = arith.shli %get3A_229, %shift_left3A_230 : vector<16xi32>
        %bitcast3A = vector.bitcast %shift_left3A_231 : vector<16xi32> to vector<16xf32>
        %and3A_232 = arith.andi %get3A_229, %broadcast_in_dim3A_151 : vector<16xi32>
        %bitcast3A_233 = vector.bitcast %and3A_232 : vector<16xi32> to vector<16xf32>
        %swap3A = arith.index_cast %add3A_227 : i32 to index
        %swap3A_234 = arith.constant 0 : index
        %swap3A_235 = tpu.vector_load %arg13[%swap3A, %swap3A_234] {strides = array<i32>} : memref<64x128xf32, #tpu.memory_space<vmem>>, vector<16xf32>,
        tpu.vector_store %arg13[%swap3A, %swap3A_234], %bitcast3A {strides = array<i32>} : memref<64x128xf32, #tpu.memory_space<vmem>>, vector<16xf32>,
        %swap3A_236 = arith.index_cast %add3A_227 : i32 to index
        %swap3A_237 = arith.constant 64 : index
        %swap3A_238 = tpu.vector_load %arg13[%swap3A_236, %swap3A_237] {strides = array<i32>} : memref<64x128xf32, #tpu.memory_space<vmem>>, vector<16xf32>,
        tpu.vector_store %arg13[%swap3A_236, %swap3A_237], %bitcast3A_233 {strides = array<i32>} : memref<64x128xf32, #tpu.memory_space<vmem>>, vector<16xf32>,
        %get3A_239 = arith.index_cast %add3A_227 : i32 to index
        %get3A_240 = arith.constant 16 : index
        %get3A_241 = tpu.vector_load %arg10[%get3A_239, %get3A_240] {strides = array<i32>} : memref<64x64xi32, #tpu.memory_space<vmem>>, vector<16xi32>,
        %shift_left3A_242 = arith.constant 16 : i32
        %shift_left3A_243 = vector.broadcast %shift_left3A_242 : i32 to vector<16xi32>
        %shift_left3A_244 = arith.shli %get3A_241, %shift_left3A_243 : vector<16xi32>
        %bitcast3A_245 = vector.bitcast %shift_left3A_244 : vector<16xi32> to vector<16xf32>
        %and3A_246 = arith.andi %get3A_241, %broadcast_in_dim3A_151 : vector<16xi32>
        %bitcast3A_247 = vector.bitcast %and3A_246 : vector<16xi32> to vector<16xf32>
        %swap3A_248 = arith.index_cast %add3A_227 : i32 to index
        %swap3A_249 = arith.constant 16 : index
        %swap3A_250 = tpu.vector_load %arg13[%swap3A_248, %swap3A_249] {strides = array<i32>} : memref<64x128xf32, #tpu.memory_space<vmem>>, vector<16xf32>,
        tpu.vector_store %arg13[%swap3A_248, %swap3A_249], %bitcast3A_245 {strides = array<i32>} : memref<64x128xf32, #tpu.memory_space<vmem>>, vector<16xf32>,
        %swap3A_251 = arith.index_cast %add3A_227 : i32 to index
        %swap3A_252 = arith.constant 80 : index
        %swap3A_253 = tpu.vector_load %arg13[%swap3A_251, %swap3A_252] {strides = array<i32>} : memref<64x128xf32, #tpu.memory_space<vmem>>, vector<16xf32>,
        tpu.vector_store %arg13[%swap3A_251, %swap3A_252], %bitcast3A_247 {strides = array<i32>} : memref<64x128xf32, #tpu.memory_space<vmem>>, vector<16xf32>,
        %get3A_254 = arith.index_cast %add3A_227 : i32 to index
        %get3A_255 = arith.constant 32 : index
        %get3A_256 = tpu.vector_load %arg10[%get3A_254, %get3A_255] {strides = array<i32>} : memref<64x64xi32, #tpu.memory_space<vmem>>, vector<16xi32>,
        %shift_left3A_257 = arith.constant 16 : i32
        %shift_left3A_258 = vector.broadcast %shift_left3A_257 : i32 to vector<16xi32>
        %shift_left3A_259 = arith.shli %get3A_256, %shift_left3A_258 : vector<16xi32>
        %bitcast3A_260 = vector.bitcast %shift_left3A_259 : vector<16xi32> to vector<16xf32>
        %and3A_261 = arith.andi %get3A_256, %broadcast_in_dim3A_151 : vector<16xi32>
        %bitcast3A_262 = vector.bitcast %and3A_261 : vector<16xi32> to vector<16xf32>
        %swap3A_263 = arith.index_cast %add3A_227 : i32 to index
        %swap3A_264 = arith.constant 32 : index
        %swap3A_265 = tpu.vector_load %arg13[%swap3A_263, %swap3A_264] {strides = array<i32>} : memref<64x128xf32, #tpu.memory_space<vmem>>, vector<16xf32>,
        tpu.vector_store %arg13[%swap3A_263, %swap3A_264], %bitcast3A_260 {strides = array<i32>} : memref<64x128xf32, #tpu.memory_space<vmem>>, vector<16xf32>,
        %swap3A_266 = arith.index_cast %add3A_227 : i32 to index
        %swap3A_267 = arith.constant 96 : index
        %swap3A_268 = tpu.vector_load %arg13[%swap3A_266, %swap3A_267] {strides = array<i32>} : memref<64x128xf32, #tpu.memory_space<vmem>>, vector<16xf32>,
        tpu.vector_store %arg13[%swap3A_266, %swap3A_267], %bitcast3A_262 {strides = array<i32>} : memref<64x128xf32, #tpu.memory_space<vmem>>, vector<16xf32>,
        %get3A_269 = arith.index_cast %add3A_227 : i32 to index
        %get3A_270 = arith.constant 48 : index
        %get3A_271 = tpu.vector_load %arg10[%get3A_269, %get3A_270] {strides = array<i32>} : memref<64x64xi32, #tpu.memory_space<vmem>>, vector<16xi32>,
        %shift_left3A_272 = arith.constant 16 : i32
        %shift_left3A_273 = vector.broadcast %shift_left3A_272 : i32 to vector<16xi32>
        %shift_left3A_274 = arith.shli %get3A_271, %shift_left3A_273 : vector<16xi32>
        %bitcast3A_275 = vector.bitcast %shift_left3A_274 : vector<16xi32> to vector<16xf32>
        %and3A_276 = arith.andi %get3A_271, %broadcast_in_dim3A_151 : vector<16xi32>
        %bitcast3A_277 = vector.bitcast %and3A_276 : vector<16xi32> to vector<16xf32>
        %swap3A_278 = arith.index_cast %add3A_227 : i32 to index
        %swap3A_279 = arith.constant 48 : index
        %swap3A_280 = tpu.vector_load %arg13[%swap3A_278, %swap3A_279] {strides = array<i32>} : memref<64x128xf32, #tpu.memory_space<vmem>>, vector<16xf32>,
        tpu.vector_store %arg13[%swap3A_278, %swap3A_279], %bitcast3A_275 {strides = array<i32>} : memref<64x128xf32, #tpu.memory_space<vmem>>, vector<16xf32>,
        %swap3A_281 = arith.index_cast %add3A_227 : i32 to index
        %swap3A_282 = arith.constant 112 : index
        %swap3A_283 = tpu.vector_load %arg13[%swap3A_281, %swap3A_282] {strides = array<i32>} : memref<64x128xf32, #tpu.memory_space<vmem>>, vector<16xf32>,
        tpu.vector_store %arg13[%swap3A_281, %swap3A_282], %bitcast3A_277 {strides = array<i32>} : memref<64x128xf32, #tpu.memory_space<vmem>>, vector<16xf32>,
      }
      %scan3A_156 = arith.constant 64 : i32
      %add3A_157 = arith.constant 1 : i32
      %add3A_158 = arith.addi %mul3A_95, %add3A_157 : i32
      %scan3A_159 = arith.constant 0 : i32
      %scan3A_160 = arith.constant 4 : i32
      %scan3A_161 = arith.addi %scan3A_159, %scan3A_160 : i32
      %scan3A_162 = arith.constant 1 : i32
      scf.for %scan3A_223 = %scan3A_159 to %scan3A_161 step %scan3A_162  : i32 {
        %mul3A_224 = arith.constant 16 : i32
        %mul3A_225 = arith.muli %scan3A_223, %mul3A_224 : i32
        %add3A_226 = arith.constant 0 : i32
        %add3A_227 = arith.addi %add3A_226, %mul3A_225 : i32
        %mul3A_228 = arith.constant 64 : i32
        %mul3A_229 = arith.muli %add3A_158, %mul3A_228 : i32
        %add3A_230 = arith.addi %mul3A_229, %add3A_227 : i32
        %get3A = arith.index_cast %add3A_230 : i32 to index
        %get3A_231 = tpu.vector_load %arg7[%get3A] {strides = array<i32>} : memref<20192xi32, #tpu.memory_space<vmem>>, vector<16xi32>,
        %swap3A = arith.constant 1 : i32
        %swap3A_232 = arith.index_cast %swap3A : i32 to index
        %swap3A_233 = arith.index_cast %add3A_227 : i32 to index
        %swap3A_234 = tpu.vector_load %arg8[%swap3A_232, %swap3A_233] {strides = array<i32>} : memref<3x64xi32, #tpu.memory_space<vmem>>, vector<16xi32>,
        tpu.vector_store %arg8[%swap3A_232, %swap3A_233], %get3A_231 {strides = array<i32>} : memref<3x64xi32, #tpu.memory_space<vmem>>, vector<16xi32>,
      }
      %scan3A_163 = arith.constant 4 : i32
      %dma_start3A_164 = arith.constant 1 : i32
      %dma_start3A_165 = arith.constant 0 : i32
      %dma_start3A_166 = tpu.memref_slice %arg8[%dma_start3A_164, %dma_start3A_165] : memref<3x64xi32, #tpu.memory_space<vmem>> -> memref<1x64xi32, #tpu.memory_space<vmem>>
      %dma_start3A_167 = tpu.memref_squeeze %dma_start3A_166 : memref<1x64xi32, #tpu.memory_space<vmem>> -> memref<64xi32, #tpu.memory_space<vmem>>
      %dma_start3A_168 = arith.constant 0 : i32
      %dma_start3A_169 = arith.constant 0 : i32
      %dma_start3A_170 = tpu.memref_slice %arg16[%dma_start3A_168, %dma_start3A_169] : memref<5632x128xf32, #tpu.memory_space<vmem_shared>> -> memref<5632x128xf32, #tpu.memory_space<vmem_shared>>
      tpu.enqueue_indirect_dma source(%arg13 : memref<64x128xf32, #tpu.memory_space<vmem>>) target(%dma_start3A_170 : memref<5632x128xf32, #tpu.memory_space<vmem_shared>>) offsets(%dma_start3A_167 : memref<64xi32, #tpu.memory_space<vmem>>) semaphore(%arg21 : memref<!tpu.dma_semaphore, #tpu.memory_space<semaphore_mem>>) {add = true}
      %add3A_171 = arith.constant 1 : i32
      %add3A_172 = arith.addi %mul3A_95, %add3A_171 : i32
      %add3A_173 = arith.constant 3 : i32
      %add3A_174 = arith.addi %add3A_172, %add3A_173 : i32
      %lt3A_175 = arith.cmpi slt, %add3A_174, %mul3A_44 : i32
      %convert_element_type3A_176 = arith.extui %lt3A_175 : i1 to i32
      %cond3A_177 = arith.constant 0 : i32
      %cond3A_178 = arith.cmpi ne, %convert_element_type3A_176, %cond3A_177 : i32
      scf.if %cond3A_178 {
        %add3A_223 = arith.constant 1 : i32
        %add3A_224 = arith.addi %mul3A_95, %add3A_223 : i32
        %add3A_225 = arith.constant 3 : i32
        %add3A_226 = arith.addi %add3A_224, %add3A_225 : i32
        %mul3A_227 = arith.constant 64 : i32
        %mul3A_228 = arith.muli %add3A_226, %mul3A_227 : i32
        %dma_start3A_229 = tpu.memref_slice %arg6[%mul3A_228] : memref<20192xi32, #tpu.memory_space<vmem>> -> memref<64xi32, #tpu.memory_space<vmem>>
        %dma_start3A_230 = arith.constant 0 : i32
        %dma_start3A_231 = arith.constant 0 : i32
        %dma_start3A_232 = tpu.memref_slice %arg2[%dma_start3A_230, %dma_start3A_231] : memref<10000x64xi32, #tpu.memory_space<hbm>> -> memref<10000x64xi32, #tpu.memory_space<hbm>>
        tpu.enqueue_indirect_dma source(%dma_start3A_232 : memref<10000x64xi32, #tpu.memory_space<hbm>>) target(%arg10 : memref<64x64xi32, #tpu.memory_space<vmem>>) offsets(%dma_start3A_229 : memref<64xi32, #tpu.memory_space<vmem>>) semaphore(%arg18 : memref<!tpu.dma_semaphore, #tpu.memory_space<semaphore_mem>>)
      } else {
      }
      %add3A_179 = arith.constant 2 : i32
      %add3A_180 = arith.addi %mul3A_95, %add3A_179 : i32
      %mul3A_181 = arith.constant 64 : i32
      %mul3A_182 = arith.muli %add3A_180, %mul3A_181 : i32
      %dma_wait3A_183 = tpu.memref_slice %arg6[%mul3A_182] : memref<20192xi32, #tpu.memory_space<vmem>> -> memref<64xi32, #tpu.memory_space<vmem>>
      %dma_wait3A_184 = arith.constant 0 : i32
      %dma_wait3A_185 = arith.constant 0 : i32
      %dma_wait3A_186 = tpu.memref_slice %arg2[%dma_wait3A_184, %dma_wait3A_185] : memref<10000x64xi32, #tpu.memory_space<hbm>> -> memref<10000x64xi32, #tpu.memory_space<hbm>>
      tpu.wait_indirect_dma semaphore(%arg19 : memref<!tpu.dma_semaphore, #tpu.memory_space<semaphore_mem>>) src(%dma_wait3A_186 : memref<10000x64xi32, #tpu.memory_space<hbm>>) dst(%arg11 : memref<64x64xi32, #tpu.memory_space<vmem>>)
      %add3A_187 = arith.constant 2 : i32
      %add3A_188 = arith.addi %mul3A_95, %add3A_187 : i32
      %ge3A_189 = arith.constant 3 : i32
      %ge3A_190 = arith.cmpi sge, %add3A_188, %ge3A_189 : i32
      %convert_element_type3A_191 = arith.extui %ge3A_190 : i1 to i32
      %cond3A_192 = arith.constant 0 : i32
      %cond3A_193 = arith.cmpi ne, %convert_element_type3A_191, %cond3A_192 : i32
      scf.if %cond3A_193 {
        %dma_wait3A_223 = arith.constant 2 : i32
        %dma_wait3A_224 = arith.constant 0 : i32
        %dma_wait3A_225 = tpu.memref_slice %arg8[%dma_wait3A_223, %dma_wait3A_224] : memref<3x64xi32, #tpu.memory_space<vmem>> -> memref<1x64xi32, #tpu.memory_space<vmem>>
        %dma_wait3A_226 = tpu.memref_squeeze %dma_wait3A_225 : memref<1x64xi32, #tpu.memory_space<vmem>> -> memref<64xi32, #tpu.memory_space<vmem>>
        %dma_wait3A_227 = arith.constant 0 : i32
        %dma_wait3A_228 = arith.constant 0 : i32
        %dma_wait3A_229 = tpu.memref_slice %arg16[%dma_wait3A_227, %dma_wait3A_228] : memref<5632x128xf32, #tpu.memory_space<vmem_shared>> -> memref<5632x128xf32, #tpu.memory_space<vmem_shared>>
        tpu.wait_indirect_dma semaphore(%arg22 : memref<!tpu.dma_semaphore, #tpu.memory_space<semaphore_mem>>) src(%arg14 : memref<64x128xf32, #tpu.memory_space<vmem>>) dst(%dma_wait3A_229 : memref<5632x128xf32, #tpu.memory_space<vmem_shared>>)
      } else {
      }
      %broadcast_in_dim3A_194 = arith.constant -65536 : i32
      %broadcast_in_dim3A_195 = vector.broadcast %broadcast_in_dim3A_194 : i32 to vector<16xi32>
      %scan3A_196 = arith.constant 0 : i32
      %scan3A_197 = arith.constant 64 : i32
      %scan3A_198 = arith.addi %scan3A_196, %scan3A_197 : i32
      %scan3A_199 = arith.constant 1 : i32
      scf.for %scan3A_223 = %scan3A_196 to %scan3A_198 step %scan3A_199  : i32 {
        %mul3A_224 = arith.constant 1 : i32
        %mul3A_225 = arith.muli %scan3A_223, %mul3A_224 : i32
        %add3A_226 = arith.constant 0 : i32
        %add3A_227 = arith.addi %add3A_226, %mul3A_225 : i32
        %get3A = arith.index_cast %add3A_227 : i32 to index
        %get3A_228 = arith.constant 0 : index
        %get3A_229 = tpu.vector_load %arg11[%get3A, %get3A_228] {strides = array<i32>} : memref<64x64xi32, #tpu.memory_space<vmem>>, vector<16xi32>,
        %shift_left3A = arith.constant 16 : i32
        %shift_left3A_230 = vector.broadcast %shift_left3A : i32 to vector<16xi32>
        %shift_left3A_231 = arith.shli %get3A_229, %shift_left3A_230 : vector<16xi32>
        %bitcast3A = vector.bitcast %shift_left3A_231 : vector<16xi32> to vector<16xf32>
        %and3A_232 = arith.andi %get3A_229, %broadcast_in_dim3A_195 : vector<16xi32>
        %bitcast3A_233 = vector.bitcast %and3A_232 : vector<16xi32> to vector<16xf32>
        %swap3A = arith.index_cast %add3A_227 : i32 to index
        %swap3A_234 = arith.constant 0 : index
        %swap3A_235 = tpu.vector_load %arg14[%swap3A, %swap3A_234] {strides = array<i32>} : memref<64x128xf32, #tpu.memory_space<vmem>>, vector<16xf32>,
        tpu.vector_store %arg14[%swap3A, %swap3A_234], %bitcast3A {strides = array<i32>} : memref<64x128xf32, #tpu.memory_space<vmem>>, vector<16xf32>,
        %swap3A_236 = arith.index_cast %add3A_227 : i32 to index
        %swap3A_237 = arith.constant 64 : index
        %swap3A_238 = tpu.vector_load %arg14[%swap3A_236, %swap3A_237] {strides = array<i32>} : memref<64x128xf32, #tpu.memory_space<vmem>>, vector<16xf32>,
        tpu.vector_store %arg14[%swap3A_236, %swap3A_237], %bitcast3A_233 {strides = array<i32>} : memref<64x128xf32, #tpu.memory_space<vmem>>, vector<16xf32>,
        %get3A_239 = arith.index_cast %add3A_227 : i32 to index
        %get3A_240 = arith.constant 16 : index
        %get3A_241 = tpu.vector_load %arg11[%get3A_239, %get3A_240] {strides = array<i32>} : memref<64x64xi32, #tpu.memory_space<vmem>>, vector<16xi32>,
        %shift_left3A_242 = arith.constant 16 : i32
        %shift_left3A_243 = vector.broadcast %shift_left3A_242 : i32 to vector<16xi32>
        %shift_left3A_244 = arith.shli %get3A_241, %shift_left3A_243 : vector<16xi32>
        %bitcast3A_245 = vector.bitcast %shift_left3A_244 : vector<16xi32> to vector<16xf32>
        %and3A_246 = arith.andi %get3A_241, %broadcast_in_dim3A_195 : vector<16xi32>
        %bitcast3A_247 = vector.bitcast %and3A_246 : vector<16xi32> to vector<16xf32>
        %swap3A_248 = arith.index_cast %add3A_227 : i32 to index
        %swap3A_249 = arith.constant 16 : index
        %swap3A_250 = tpu.vector_load %arg14[%swap3A_248, %swap3A_249] {strides = array<i32>} : memref<64x128xf32, #tpu.memory_space<vmem>>, vector<16xf32>,
        tpu.vector_store %arg14[%swap3A_248, %swap3A_249], %bitcast3A_245 {strides = array<i32>} : memref<64x128xf32, #tpu.memory_space<vmem>>, vector<16xf32>,
        %swap3A_251 = arith.index_cast %add3A_227 : i32 to index
        %swap3A_252 = arith.constant 80 : index
        %swap3A_253 = tpu.vector_load %arg14[%swap3A_251, %swap3A_252] {strides = array<i32>} : memref<64x128xf32, #tpu.memory_space<vmem>>, vector<16xf32>,
        tpu.vector_store %arg14[%swap3A_251, %swap3A_252], %bitcast3A_247 {strides = array<i32>} : memref<64x128xf32, #tpu.memory_space<vmem>>, vector<16xf32>,
        %get3A_254 = arith.index_cast %add3A_227 : i32 to index
        %get3A_255 = arith.constant 32 : index
        %get3A_256 = tpu.vector_load %arg11[%get3A_254, %get3A_255] {strides = array<i32>} : memref<64x64xi32, #tpu.memory_space<vmem>>, vector<16xi32>,
        %shift_left3A_257 = arith.constant 16 : i32
        %shift_left3A_258 = vector.broadcast %shift_left3A_257 : i32 to vector<16xi32>
        %shift_left3A_259 = arith.shli %get3A_256, %shift_left3A_258 : vector<16xi32>
        %bitcast3A_260 = vector.bitcast %shift_left3A_259 : vector<16xi32> to vector<16xf32>
        %and3A_261 = arith.andi %get3A_256, %broadcast_in_dim3A_195 : vector<16xi32>
        %bitcast3A_262 = vector.bitcast %and3A_261 : vector<16xi32> to vector<16xf32>
        %swap3A_263 = arith.index_cast %add3A_227 : i32 to index
        %swap3A_264 = arith.constant 32 : index
        %swap3A_265 = tpu.vector_load %arg14[%swap3A_263, %swap3A_264] {strides = array<i32>} : memref<64x128xf32, #tpu.memory_space<vmem>>, vector<16xf32>,
        tpu.vector_store %arg14[%swap3A_263, %swap3A_264], %bitcast3A_260 {strides = array<i32>} : memref<64x128xf32, #tpu.memory_space<vmem>>, vector<16xf32>,
        %swap3A_266 = arith.index_cast %add3A_227 : i32 to index
        %swap3A_267 = arith.constant 96 : index
        %swap3A_268 = tpu.vector_load %arg14[%swap3A_266, %swap3A_267] {strides = array<i32>} : memref<64x128xf32, #tpu.memory_space<vmem>>, vector<16xf32>,
        tpu.vector_store %arg14[%swap3A_266, %swap3A_267], %bitcast3A_262 {strides = array<i32>} : memref<64x128xf32, #tpu.memory_space<vmem>>, vector<16xf32>,
        %get3A_269 = arith.index_cast %add3A_227 : i32 to index
        %get3A_270 = arith.constant 48 : index
        %get3A_271 = tpu.vector_load %arg11[%get3A_269, %get3A_270] {strides = array<i32>} : memref<64x64xi32, #tpu.memory_space<vmem>>, vector<16xi32>,
        %shift_left3A_272 = arith.constant 16 : i32
        %shift_left3A_273 = vector.broadcast %shift_left3A_272 : i32 to vector<16xi32>
        %shift_left3A_274 = arith.shli %get3A_271, %shift_left3A_273 : vector<16xi32>
        %bitcast3A_275 = vector.bitcast %shift_left3A_274 : vector<16xi32> to vector<16xf32>
        %and3A_276 = arith.andi %get3A_271, %broadcast_in_dim3A_195 : vector<16xi32>
        %bitcast3A_277 = vector.bitcast %and3A_276 : vector<16xi32> to vector<16xf32>
        %swap3A_278 = arith.index_cast %add3A_227 : i32 to index
        %swap3A_279 = arith.constant 48 : index
        %swap3A_280 = tpu.vector_load %arg14[%swap3A_278, %swap3A_279] {strides = array<i32>} : memref<64x128xf32, #tpu.memory_space<vmem>>, vector<16xf32>,
        tpu.vector_store %arg14[%swap3A_278, %swap3A_279], %bitcast3A_275 {strides = array<i32>} : memref<64x128xf32, #tpu.memory_space<vmem>>, vector<16xf32>,
        %swap3A_281 = arith.index_cast %add3A_227 : i32 to index
        %swap3A_282 = arith.constant 112 : index
        %swap3A_283 = tpu.vector_load %arg14[%swap3A_281, %swap3A_282] {strides = array<i32>} : memref<64x128xf32, #tpu.memory_space<vmem>>, vector<16xf32>,
        tpu.vector_store %arg14[%swap3A_281, %swap3A_282], %bitcast3A_277 {strides = array<i32>} : memref<64x128xf32, #tpu.memory_space<vmem>>, vector<16xf32>,
      }
      %scan3A_200 = arith.constant 64 : i32
      %add3A_201 = arith.constant 2 : i32
      %add3A_202 = arith.addi %mul3A_95, %add3A_201 : i32
      %scan3A_203 = arith.constant 0 : i32
      %scan3A_204 = arith.constant 4 : i32
      %scan3A_205 = arith.addi %scan3A_203, %scan3A_204 : i32
      %scan3A_206 = arith.constant 1 : i32
      scf.for %scan3A_223 = %scan3A_203 to %scan3A_205 step %scan3A_206  : i32 {
        %mul3A_224 = arith.constant 16 : i32
        %mul3A_225 = arith.muli %scan3A_223, %mul3A_224 : i32
        %add3A_226 = arith.constant 0 : i32
        %add3A_227 = arith.addi %add3A_226, %mul3A_225 : i32
        %mul3A_228 = arith.constant 64 : i32
        %mul3A_229 = arith.muli %add3A_202, %mul3A_228 : i32
        %add3A_230 = arith.addi %mul3A_229, %add3A_227 : i32
        %get3A = arith.index_cast %add3A_230 : i32 to index
        %get3A_231 = tpu.vector_load %arg7[%get3A] {strides = array<i32>} : memref<20192xi32, #tpu.memory_space<vmem>>, vector<16xi32>,
        %swap3A = arith.constant 2 : i32
        %swap3A_232 = arith.index_cast %swap3A : i32 to index
        %swap3A_233 = arith.index_cast %add3A_227 : i32 to index
        %swap3A_234 = tpu.vector_load %arg8[%swap3A_232, %swap3A_233] {strides = array<i32>} : memref<3x64xi32, #tpu.memory_space<vmem>>, vector<16xi32>,
        tpu.vector_store %arg8[%swap3A_232, %swap3A_233], %get3A_231 {strides = array<i32>} : memref<3x64xi32, #tpu.memory_space<vmem>>, vector<16xi32>,
      }
      %scan3A_207 = arith.constant 4 : i32
      %dma_start3A_208 = arith.constant 2 : i32
      %dma_start3A_209 = arith.constant 0 : i32
      %dma_start3A_210 = tpu.memref_slice %arg8[%dma_start3A_208, %dma_start3A_209] : memref<3x64xi32, #tpu.memory_space<vmem>> -> memref<1x64xi32, #tpu.memory_space<vmem>>
      %dma_start3A_211 = tpu.memref_squeeze %dma_start3A_210 : memref<1x64xi32, #tpu.memory_space<vmem>> -> memref<64xi32, #tpu.memory_space<vmem>>
      %dma_start3A_212 = arith.constant 0 : i32
      %dma_start3A_213 = arith.constant 0 : i32
      %dma_start3A_214 = tpu.memref_slice %arg16[%dma_start3A_212, %dma_start3A_213] : memref<5632x128xf32, #tpu.memory_space<vmem_shared>> -> memref<5632x128xf32, #tpu.memory_space<vmem_shared>>
      tpu.enqueue_indirect_dma source(%arg14 : memref<64x128xf32, #tpu.memory_space<vmem>>) target(%dma_start3A_214 : memref<5632x128xf32, #tpu.memory_space<vmem_shared>>) offsets(%dma_start3A_211 : memref<64xi32, #tpu.memory_space<vmem>>) semaphore(%arg22 : memref<!tpu.dma_semaphore, #tpu.memory_space<semaphore_mem>>) {add = true}
      %add3A_215 = arith.constant 2 : i32
      %add3A_216 = arith.addi %mul3A_95, %add3A_215 : i32
      %add3A_217 = arith.constant 3 : i32
      %add3A_218 = arith.addi %add3A_216, %add3A_217 : i32
      %lt3A_219 = arith.cmpi slt, %add3A_218, %mul3A_44 : i32
      %convert_element_type3A_220 = arith.extui %lt3A_219 : i1 to i32
      %cond3A_221 = arith.constant 0 : i32
      %cond3A_222 = arith.cmpi ne, %convert_element_type3A_220, %cond3A_221 : i32
      scf.if %cond3A_222 {
        %add3A_223 = arith.constant 2 : i32
        %add3A_224 = arith.addi %mul3A_95, %add3A_223 : i32
        %add3A_225 = arith.constant 3 : i32
        %add3A_226 = arith.addi %add3A_224, %add3A_225 : i32
        %mul3A_227 = arith.constant 64 : i32
        %mul3A_228 = arith.muli %add3A_226, %mul3A_227 : i32
        %dma_start3A_229 = tpu.memref_slice %arg6[%mul3A_228] : memref<20192xi32, #tpu.memory_space<vmem>> -> memref<64xi32, #tpu.memory_space<vmem>>
        %dma_start3A_230 = arith.constant 0 : i32
        %dma_start3A_231 = arith.constant 0 : i32
        %dma_start3A_232 = tpu.memref_slice %arg2[%dma_start3A_230, %dma_start3A_231] : memref<10000x64xi32, #tpu.memory_space<hbm>> -> memref<10000x64xi32, #tpu.memory_space<hbm>>
        tpu.enqueue_indirect_dma source(%dma_start3A_232 : memref<10000x64xi32, #tpu.memory_space<hbm>>) target(%arg11 : memref<64x64xi32, #tpu.memory_space<vmem>>) offsets(%dma_start3A_229 : memref<64xi32, #tpu.memory_space<vmem>>) semaphore(%arg19 : memref<!tpu.dma_semaphore, #tpu.memory_space<semaphore_mem>>)
      } else {
      }
    }
    %dma_wait3A = arith.constant 0 : i32
    %dma_wait3A_68 = arith.constant 0 : i32
    %dma_wait3A_69 = tpu.memref_slice %arg8[%dma_wait3A, %dma_wait3A_68] : memref<3x64xi32, #tpu.memory_space<vmem>> -> memref<1x64xi32, #tpu.memory_space<vmem>>
    %dma_wait3A_70 = tpu.memref_squeeze %dma_wait3A_69 : memref<1x64xi32, #tpu.memory_space<vmem>> -> memref<64xi32, #tpu.memory_space<vmem>>
    %dma_wait3A_71 = arith.constant 0 : i32
    %dma_wait3A_72 = arith.constant 0 : i32
    %dma_wait3A_73 = tpu.memref_slice %arg16[%dma_wait3A_71, %dma_wait3A_72] : memref<5632x128xf32, #tpu.memory_space<vmem_shared>> -> memref<5632x128xf32, #tpu.memory_space<vmem_shared>>
    tpu.wait_indirect_dma semaphore(%arg20 : memref<!tpu.dma_semaphore, #tpu.memory_space<semaphore_mem>>) src(%arg12 : memref<64x128xf32, #tpu.memory_space<vmem>>) dst(%dma_wait3A_73 : memref<5632x128xf32, #tpu.memory_space<vmem_shared>>)
    %dma_wait3A_74 = arith.constant 1 : i32
    %dma_wait3A_75 = arith.constant 0 : i32
    %dma_wait3A_76 = tpu.memref_slice %arg8[%dma_wait3A_74, %dma_wait3A_75] : memref<3x64xi32, #tpu.memory_space<vmem>> -> memref<1x64xi32, #tpu.memory_space<vmem>>
    %dma_wait3A_77 = tpu.memref_squeeze %dma_wait3A_76 : memref<1x64xi32, #tpu.memory_space<vmem>> -> memref<64xi32, #tpu.memory_space<vmem>>
    %dma_wait3A_78 = arith.constant 0 : i32
    %dma_wait3A_79 = arith.constant 0 : i32
    %dma_wait3A_80 = tpu.memref_slice %arg16[%dma_wait3A_78, %dma_wait3A_79] : memref<5632x128xf32, #tpu.memory_space<vmem_shared>> -> memref<5632x128xf32, #tpu.memory_space<vmem_shared>>
    tpu.wait_indirect_dma semaphore(%arg21 : memref<!tpu.dma_semaphore, #tpu.memory_space<semaphore_mem>>) src(%arg13 : memref<64x128xf32, #tpu.memory_space<vmem>>) dst(%dma_wait3A_80 : memref<5632x128xf32, #tpu.memory_space<vmem_shared>>)
    %dma_wait3A_81 = arith.constant 2 : i32
    %dma_wait3A_82 = arith.constant 0 : i32
    %dma_wait3A_83 = tpu.memref_slice %arg8[%dma_wait3A_81, %dma_wait3A_82] : memref<3x64xi32, #tpu.memory_space<vmem>> -> memref<1x64xi32, #tpu.memory_space<vmem>>
    %dma_wait3A_84 = tpu.memref_squeeze %dma_wait3A_83 : memref<1x64xi32, #tpu.memory_space<vmem>> -> memref<64xi32, #tpu.memory_space<vmem>>
    %dma_wait3A_85 = arith.constant 0 : i32
    %dma_wait3A_86 = arith.constant 0 : i32
    %dma_wait3A_87 = tpu.memref_slice %arg16[%dma_wait3A_85, %dma_wait3A_86] : memref<5632x128xf32, #tpu.memory_space<vmem_shared>> -> memref<5632x128xf32, #tpu.memory_space<vmem_shared>>
    tpu.wait_indirect_dma semaphore(%arg22 : memref<!tpu.dma_semaphore, #tpu.memory_space<semaphore_mem>>) src(%arg14 : memref<64x128xf32, #tpu.memory_space<vmem>>) dst(%dma_wait3A_87 : memref<5632x128xf32, #tpu.memory_space<vmem_shared>>)
    %barrier3A_88 = arith.constant 0 : index
    tpu.barrier barrier_id(%barrier3A_88)
    %mul3A_89 = arith.constant 352 : i32
    %mul3A_90 = arith.muli %arg1, %mul3A_89 : i32
    %mul3A_91 = arith.constant 352 : i32
    %mul3A_92 = arith.muli %arg1, %mul3A_91 : i32
    "tpu.region"() ({
      %run_scoped3A = tpu.sem_alloc : memref<!tpu.dma_semaphore, #tpu.memory_space<semaphore_mem>>
      %dma_start3A_93 = arith.constant 0 : i32
      %dma_start3A_94 = tpu.memref_slice %arg5[%arg0, %mul3A_92, %dma_start3A_93] : memref<2x5632x128xf32, #tpu.memory_space<hbm>> -> memref<1x352x128xf32, #tpu.memory_space<hbm>>
      %dma_start3A_95 = tpu.memref_squeeze %dma_start3A_94 : memref<1x352x128xf32, #tpu.memory_space<hbm>> -> memref<352x128xf32, #tpu.memory_space<hbm>>
      %dma_start3A_96 = arith.constant 0 : i32
      %dma_start3A_97 = tpu.memref_slice %arg16[%mul3A_90, %dma_start3A_96] : memref<5632x128xf32, #tpu.memory_space<vmem_shared>> -> memref<352x128xf32, #tpu.memory_space<vmem_shared>>
      tpu.enqueue_dma source(%dma_start3A_97 : memref<352x128xf32, #tpu.memory_space<vmem_shared>>) target(%dma_start3A_95 : memref<352x128xf32, #tpu.memory_space<hbm>>) target_semaphore(%run_scoped3A : memref<!tpu.dma_semaphore, #tpu.memory_space<semaphore_mem>>)
      %dma_wait3A_98 = arith.constant 0 : i32
      %dma_wait3A_99 = tpu.memref_slice %arg5[%arg0, %mul3A_92, %dma_wait3A_98] : memref<2x5632x128xf32, #tpu.memory_space<hbm>> -> memref<1x352x128xf32, #tpu.memory_space<hbm>>
      %dma_wait3A_100 = tpu.memref_squeeze %dma_wait3A_99 : memref<1x352x128xf32, #tpu.memory_space<hbm>> -> memref<352x128xf32, #tpu.memory_space<hbm>>
      %dma_wait3A_101 = arith.constant 0 : i32
      %dma_wait3A_102 = tpu.memref_slice %arg16[%mul3A_90, %dma_wait3A_101] : memref<5632x128xf32, #tpu.memory_space<vmem_shared>> -> memref<352x128xf32, #tpu.memory_space<vmem_shared>>
      tpu.wait_dma2 semaphore(%run_scoped3A : memref<!tpu.dma_semaphore, #tpu.memory_space<semaphore_mem>>) src(%dma_wait3A_102 : memref<352x128xf32, #tpu.memory_space<vmem_shared>>) dst(%dma_wait3A_100 : memref<352x128xf32, #tpu.memory_space<hbm>>)
      tpu.yield
    }) : () -> ()
    return
  }
}

module attributes {stable_mosaic.version = 14 : i64} {
  func.func @_matmul_body(%arg0: i32, %arg1: memref<1000x128xf32, #tpu.memory_space<vmem>>, %arg2: memref<128x128xf32, #tpu.memory_space<vmem>>, %arg3: memref<1000x128xbf16, #tpu.memory_space<vmem>>) attributes {dimension_semantics = [#tpu.dimension_semantics<arbitrary>], iteration_bounds = array<i64: 10>, scalar_prefetch = 0 : i64, scratch_operands = 0 : i64, tpu.core_type = #tpu.core_type<tc>, window_params = [{transform_indices = @transform_0, window_bounds = array<i64: 1000, 128>}, {pipeline_mode = #tpu.pipeline_mode<synchronous>, transform_indices = @transform_1, window_bounds = array<i64: 128, 128>}, {transform_indices = @transform_2, window_bounds = array<i64: 1000, 128>}]} {
    %get3A = arith.constant 0 : index
    %get3A_0 = arith.constant 0 : index
    %get3A_1 = vector.load %arg1[%get3A, %get3A_0] : memref<1000x128xf32, #tpu.memory_space<vmem>>, vector<1000x128xf32>
    %get3A_2 = arith.constant 0 : index
    %get3A_3 = arith.constant 0 : index
    %get3A_4 = vector.load %arg2[%get3A_2, %get3A_3] : memref<128x128xf32, #tpu.memory_space<vmem>>, vector<128x128xf32>
    %dot_general3A = arith.constant dense<0.000000e+00> : vector<1000x128xf32>
    %dot_general3A_5 = tpu.matmul %get3A_1, %get3A_4, %dot_general3A {dimension_numbers = #tpu.dot_dimension_numbers<[1], [0], [0], [1], [0, 0, 1, 1], [], []>, precision = #tpu.contract_precision<fp32>, transpose_lhs_hint = false} : vector<1000x128xf32>, vector<128x128xf32>, vector<1000x128xf32> -> vector<1000x128xf32>
    %convert_element_type3A = arith.truncf %dot_general3A_5 : vector<1000x128xf32> to vector<1000x128xbf16>
    %swap3A = arith.constant 0 : index
    %swap3A_6 = arith.constant 0 : index
    %swap3A_7 = vector.load %arg3[%swap3A, %swap3A_6] : memref<1000x128xbf16, #tpu.memory_space<vmem>>, vector<1000x128xbf16>
    tpu.vector_store %arg3[%swap3A, %swap3A_6], %convert_element_type3A {strides = array<i32>} : memref<1000x128xbf16, #tpu.memory_space<vmem>>, vector<1000x128xbf16>,
    return
  }
  func.func @transform_0(%arg0: i32) -> (i32, i32) {
    %c0_i32 = arith.constant 0 : i32
    %c0_i32_0 = arith.constant 0 : i32
    return %arg0, %c0_i32 : i32, i32
  }
  func.func @transform_1(%arg0: i32) -> (i32, i32) {
    %c0_i32 = arith.constant 0 : i32
    %c0_i32_0 = arith.constant 0 : i32
    %c0_i32_1 = arith.constant 0 : i32
    return %c0_i32, %c0_i32_0 : i32, i32
  }
  func.func @transform_2(%arg0: i32) -> (i32, i32) {
    %c0_i32 = arith.constant 0 : i32
    %c0_i32_0 = arith.constant 0 : i32
    return %arg0, %c0_i32 : i32, i32
  }
}

module attributes {stable_mosaic.version = 14 : i64} {
  func.func @_self_body(%arg0: i32, %arg1: memref<1000x128xf32, #tpu.memory_space<vmem>>, %arg2: memref<128x128xf32, #tpu.memory_space<vmem>>, %arg3: memref<1x128xf32, #tpu.memory_space<vmem>>, %arg4: memref<1000x128xf32, #tpu.memory_space<vmem>>) attributes {dimension_semantics = [#tpu.dimension_semantics<arbitrary>], iteration_bounds = array<i64: 10>, scalar_prefetch = 0 : i64, scratch_operands = 0 : i64, tpu.core_type = #tpu.core_type<tc>, window_params = [{transform_indices = @transform_0, window_bounds = array<i64: 1000, 128>}, {pipeline_mode = #tpu.pipeline_mode<synchronous>, transform_indices = @transform_1, window_bounds = array<i64: 128, 128>}, {pipeline_mode = #tpu.pipeline_mode<synchronous>, transform_indices = @transform_2, window_bounds = array<i64: 1, 128>}, {transform_indices = @transform_3, window_bounds = array<i64: 1000, 128>}]} {
    %get3A = arith.constant 0 : index
    %get3A_0 = arith.constant 0 : index
    %get3A_1 = vector.load %arg1[%get3A, %get3A_0] : memref<1000x128xf32, #tpu.memory_space<vmem>>, vector<1000x128xf32>
    %get3A_2 = arith.constant 0 : index
    %get3A_3 = arith.constant 0 : index
    %get3A_4 = vector.load %arg2[%get3A_2, %get3A_3] : memref<128x128xf32, #tpu.memory_space<vmem>>, vector<128x128xf32>
    %dot_general3A = arith.constant dense<0.000000e+00> : vector<1000x128xf32>
    %dot_general3A_5 = tpu.matmul %get3A_1, %get3A_4, %dot_general3A {dimension_numbers = #tpu.dot_dimension_numbers<[1], [0], [0], [1], [0, 0, 1, 1], [], []>, precision = #tpu.contract_precision<fp32>, transpose_lhs_hint = false} : vector<1000x128xf32>, vector<128x128xf32>, vector<1000x128xf32> -> vector<1000x128xf32>
    %get3A_6 = arith.constant 0 : index
    %get3A_7 = arith.constant 0 : index
    %get3A_8 = vector.load %arg3[%get3A_6, %get3A_7] : memref<1x128xf32, #tpu.memory_space<vmem>>, vector<1x128xf32>
    %add3A = vector.broadcast %get3A_8 : vector<1x128xf32> to vector<1000x128xf32>
    %add3A_9 = arith.addf %dot_general3A_5, %add3A : vector<1000x128xf32>
    %swap3A = arith.constant 0 : index
    %swap3A_10 = arith.constant 0 : index
    %swap3A_11 = vector.load %arg4[%swap3A, %swap3A_10] : memref<1000x128xf32, #tpu.memory_space<vmem>>, vector<1000x128xf32>
    tpu.vector_store %arg4[%swap3A, %swap3A_10], %add3A_9 {strides = array<i32>} : memref<1000x128xf32, #tpu.memory_space<vmem>>, vector<1000x128xf32>,
    return
  }
  func.func @transform_0(%arg0: i32) -> (i32, i32) {
    %c0_i32 = arith.constant 0 : i32
    %c0_i32_0 = arith.constant 0 : i32
    return %arg0, %c0_i32 : i32, i32
  }
  func.func @transform_1(%arg0: i32) -> (i32, i32) {
    %c0_i32 = arith.constant 0 : i32
    %c0_i32_0 = arith.constant 0 : i32
    %c0_i32_1 = arith.constant 0 : i32
    return %c0_i32, %c0_i32_0 : i32, i32
  }
  func.func @transform_2(%arg0: i32) -> (i32, i32) {
    %c0_i32 = arith.constant 0 : i32
    %c0_i32_0 = arith.constant 0 : i32
    %c0_i32_1 = arith.constant 0 : i32
    return %c0_i32, %c0_i32_0 : i32, i32
  }
  func.func @transform_3(%arg0: i32) -> (i32, i32) {
    %c0_i32 = arith.constant 0 : i32
    %c0_i32_0 = arith.constant 0 : i32
    return %arg0, %c0_i32 : i32, i32
  }
}

module attributes {stable_mosaic.version = 14 : i64} {
  func.func @_combine_body(%arg0: i32, %arg1: memref<1x1000x128xf32, #tpu.memory_space<vmem>>, %arg2: memref<1000x128xf32, #tpu.memory_space<vmem>>, %arg3: memref<1000x128xf32, #tpu.memory_space<vmem>>) attributes {dimension_semantics = [#tpu.dimension_semantics<arbitrary>], iteration_bounds = array<i64: 10>, scalar_prefetch = 0 : i64, scratch_operands = 0 : i64, tpu.core_type = #tpu.core_type<tc>, window_params = [{transform_indices = @transform_0, window_bounds = array<i64: 1, 1000, 128>}, {transform_indices = @transform_1, window_bounds = array<i64: 1000, 128>}, {transform_indices = @transform_2, window_bounds = array<i64: 1000, 128>}]} {
    %get3A = arith.constant 0 : index
    %get3A_0 = arith.constant 0 : index
    %get3A_1 = arith.constant 0 : index
    %get3A_2 = vector.load %arg1[%get3A, %get3A_0, %get3A_1] : memref<1x1000x128xf32, #tpu.memory_space<vmem>>, vector<1x1000x128xf32>
    %get3A_3 = vector.shape_cast %get3A_2 : vector<1x1000x128xf32> to vector<1000x128xf32>
    %get3A_4 = arith.constant 0 : index
    %get3A_5 = arith.constant 0 : index
    %get3A_6 = vector.load %arg2[%get3A_4, %get3A_5] : memref<1000x128xf32, #tpu.memory_space<vmem>>, vector<1000x128xf32>
    %add3A = arith.addf %get3A_3, %get3A_6 : vector<1000x128xf32>
    %swap3A = arith.constant 0 : index
    %swap3A_7 = arith.constant 0 : index
    %swap3A_8 = vector.load %arg3[%swap3A, %swap3A_7] : memref<1000x128xf32, #tpu.memory_space<vmem>>, vector<1000x128xf32>
    tpu.vector_store %arg3[%swap3A, %swap3A_7], %add3A {strides = array<i32>} : memref<1000x128xf32, #tpu.memory_space<vmem>>, vector<1000x128xf32>,
    return
  }
  func.func @transform_0(%arg0: i32) -> (i32, i32, i32) {
    %jit3A = arith.constant 5 : i32
    %div3A = arith.divsi %arg0, %jit3A : i32
    %sign3A = arith.constant 0 : i32
    %sign3A_0 = arith.cmpi sgt, %arg0, %sign3A : i32
    %sign3A_1 = arith.extui %sign3A_0 : i1 to i32
    %sign3A_2 = arith.constant 0 : i32
    %sign3A_3 = arith.cmpi slt, %arg0, %sign3A_2 : i32
    %sign3A_4 = arith.extui %sign3A_3 : i1 to i32
    %sign3A_5 = arith.subi %sign3A_1, %sign3A_4 : i32
    %sign3A_6 = arith.constant 0 : i32
    %sign3A_7 = arith.cmpi sgt, %jit3A, %sign3A_6 : i32
    %sign3A_8 = arith.extui %sign3A_7 : i1 to i32
    %sign3A_9 = arith.constant 0 : i32
    %sign3A_10 = arith.cmpi slt, %jit3A, %sign3A_9 : i32
    %sign3A_11 = arith.extui %sign3A_10 : i1 to i32
    %sign3A_12 = arith.subi %sign3A_8, %sign3A_11 : i32
    %ne3A = arith.cmpi ne, %sign3A_5, %sign3A_12 : i32
    %rem3A = arith.remsi %arg0, %jit3A : i32
    %ne3A_13 = arith.constant 0 : i32
    %ne3A_14 = arith.cmpi ne, %rem3A, %ne3A_13 : i32
    %and3A = arith.andi %ne3A, %ne3A_14 : i1
    %sub3A = arith.constant 1 : i32
    %sub3A_15 = arith.subi %div3A, %sub3A : i32
    %select_n3A = arith.select %and3A, %sub3A_15, %div3A : i32
    %jit3A_16 = arith.constant 5 : i32
    %eq3A = arith.constant 0 : i32
    %eq3A_17 = arith.cmpi eq, %jit3A_16, %eq3A : i32
    %jit3A_18 = arith.constant 1 : i32
    %select_n3A_19 = arith.select %eq3A_17, %jit3A_18, %jit3A_16 : i32
    %rem3A_20 = arith.remsi %arg0, %select_n3A_19 : i32
    %ne3A_21 = arith.constant 0 : i32
    %ne3A_22 = arith.cmpi ne, %rem3A_20, %ne3A_21 : i32
    %lt3A = arith.constant 0 : i32
    %lt3A_23 = arith.cmpi slt, %rem3A_20, %lt3A : i32
    %lt3A_24 = arith.constant 0 : i32
    %lt3A_25 = arith.cmpi slt, %select_n3A_19, %lt3A_24 : i32
    %ne3A_26 = arith.xori %lt3A_23, %lt3A_25 : i1
    %and3A_27 = arith.andi %ne3A_26, %ne3A_22 : i1
    %add3A = arith.addi %rem3A_20, %select_n3A_19 : i32
    %select_n3A_28 = arith.select %and3A_27, %add3A, %rem3A_20 : i32
    %c0_i32 = arith.constant 0 : i32
    %c0_i32_29 = arith.constant 0 : i32
    return %select_n3A, %select_n3A_28, %c0_i32 : i32, i32, i32
  }
  func.func @transform_1(%arg0: i32) -> (i32, i32) {
    %c0_i32 = arith.constant 0 : i32
    %c0_i32_0 = arith.constant 0 : i32
    return %arg0, %c0_i32 : i32, i32
  }
  func.func @transform_2(%arg0: i32) -> (i32, i32) {
    %c0_i32 = arith.constant 0 : i32
    %c0_i32_0 = arith.constant 0 : i32
    return %arg0, %c0_i32 : i32, i32
  }
}

</mosaic_0001>

<sc_bundles>
// kernel: kernel.6.cloned.1.call-start
scs
__scs_entry_jumppad:
0x0: {  	(pc) =	sbr.rel $0x88, $3  }
0x1: {  	(tag) =	ssettag $0x0;
	lr =	simm.s32 $0x1  }
0x2: {  	[smem:$0x3F9C] =	sst lr;
	_ =	strace $0xD0000000  }
0x3: {  	_ = 	snop  }
0x4: {  	_ = 	snop  }
0x5: {  	_ = 	snop  }
0x6: {  	_ = 	snop  }
0x7: {  	_ = 	snop  }
__scs_overlays_trampoline_lowered:
0x8: {  	[smem:$0x3FAB] =	sst s0  }
0x9: {  	[smem:$0x3FAC] =	sst s1  }
0xa: {  	[smem:$0x3FAD] =	sst s2  }
0xb: {  	[smem:$0x3FAE] =	sst s3  }
0xc: {  	[smem:$0x3FAF] =	sst s4  }
0xd: {  	[smem:$0x3FB0] =	sst s5  }
0xe: {  	[smem:$0x3FB1] =	sst s6  }
0xf: {  	[smem:$0x3FB2] =	sst s7  }
0x10: {  	[smem:$0x3FB3] =	sst s8  }
0x11: {  	[smem:$0x3FB4] =	sst s9;
	s0 =	simm.s32 @!p0 $0x0  }
0x12: {  	s1 =	sld [smem:$0x3F9A];
	s0 =	simm.s32 @p0 $0x1  }
0x13: {  	[smem:$0x3FB5] =	sst s0;
	s0 =	simm.s32 @!p1 $0x0  }
0x14: {  	s2 =	sld [smem:$0x3F99];
	s0 =	simm.s32 @p1 $0x1  }
0x15: {  	[smem:$0x3FB6] =	sst s0;
	s0 =	simm.s32 @!p2 $0x0  }
0x16: {  	s3 =	sld [smem:$0x3FDB];
	s0 =	simm.s32 @p2 $0x1  }
0x17: {  	s4 =	simm.s32 $0x1BF5;
	[smem:$0x3FB8] =	sst s0  }
0x18: {  	s0 =	sld [smem:$0x3F9B];
	_ =	swait.ge [sflag:s4], $0x0  }
0x19: {  	s7 =	sld [smem:$0x3F9C]  }
0x1a: {  	s8 =	sadd.s32 $0xFFFFE003, lr  }
0x1b: {  	s9 =	sadd.s32 $0xFFFFFEF7, lr;
	s5 =	simm.s32 $0xFFFFFFFF;
	p2 =	slt.u32 s8, $0xFFFFF086  }
0x1c: {  	p1 =	slt.u32 s9, $0xF7A;
	s5 =	simm.s32 @!p2 $0x0  }
0x1d: {  	s5 =	simm.s32 @p1 $0x1;
	p0 =	seq.s32 s7, s2  }
0x1e: {  	s7 =	smul.u32 @!p0 $0xF7A, s2;
	p2 =	seq.s32 @!p0 s5, $0x0  }
0x1f: {  	s9 =	smul.u32 $0xF7A, s1;
	s8 =	simm.s32 @!p0 $0x1BF5;
	p2 =	por !p2, p0  }
0x20: {  	[sflag:s8] =	ssyncset.s32 @!p0 $0xFFFFF086;
	s6 =	sadd.s32 @!p0 s3, s7;
	s7 =	simm.s32 @!p0 $0x108  }
0x21: {  	s3 =	sadd.s32 s3, s9;
	s6 =	sadd.s32 @!p0 $0x88, s6;
	s7 =	simm.s32 @p2 $0x1082  }
0x22: {  	[simem:s7], [sflag:s8] =	dma.local @!p0 [hbm:s6], $0xF7A  }
0x23: {  	s9 =	sor.u32 $0xD0000000, s2;
	s6 =	simm.s32 $0x108;
	_ =	swait.ge @!p0 [sflag:s8], $0x0  }
0x24: {  	s3 =	sadd.s32 $0x88, s3;
	s6 =	simm.s32 @!p1 $0x1082;
	[sflag:s4] =	ssyncset.s32 $0xFFFFF086  }
0x25: {  	[simem:s6], [sflag:s4] =	dma.local [hbm:s3], $0xF7A  }
0x26: {  	[smem:$0x3F9C] =	sst s1;
	(tag) =	ssettag s2;
	_ =	strace s9  }
0x27: {  	s1 =	sld [smem:$0x3FAC]  }
0x28: {  	s2 =	sld [smem:$0x3FAD]  }
0x29: {  	s4 =	sld [smem:$0x3FAF]  }
0x2a: {  	p0 =	seq.s32 s5, $0x0;
	s5 =	sld [smem:$0x3FB0]  }
0x2b: {  	s6 =	sld [smem:$0x3FB1]  }
0x2c: {  	s7 =	sld [smem:$0x3FB2]  }
0x2d: {  	s3 =	simm.s32 $0x108;
	s8 =	sld [smem:$0x3FB3]  }
0x2e: {  	s3 =	simm.s32 @!p0 $0x1082;
	s9 =	sld [smem:$0x3FB4]  }
0x2f: {  	lr =	sadd.s32 s0, s3;
	s0 =	sld [smem:$0x3FAB]  }
0x30: {  	s3 =	sld [smem:$0x3FAE]  }
0x31: {  	[smem:$0x3FB7] =	sst s10  }
0x32: {  	s10 =	sld [smem:$0x3FB5];
	_ =	sdelay $0x3  }
0x33: {  	p0 =	seq.s32 s10, $0x1;
	s10 =	sld [smem:$0x3FB7];
	_ =	sdelay $0x3  }
0x34: {  	[smem:$0x3FB7] =	sst s10  }
0x35: {  	s10 =	sld [smem:$0x3FB6];
	_ =	sdelay $0x3  }
0x36: {  	p1 =	seq.s32 s10, $0x1;
	s10 =	sld [smem:$0x3FB7];
	_ =	sdelay $0x3  }
0x37: {  	[smem:$0x3FB7] =	sst s10  }
0x38: {  	s10 =	sld [smem:$0x3FB8]  }
0x39: {  	_ = 	snop;
	(pc) =	sbr.ind lr, $3  }
0x3a: {  	_ = 	snop  }
0x3b: {  	_ = 	snop  }
0x3c: {  	p2 =	seq.s32 s10, $0x1;
	s10 =	sld [smem:$0x3FB7]  }
0x3d: {  	_ =	shalt  }
0x3e: {  	_ =	shalt  }
0x3f: {  	_ =	shalt  }
0x40: {  	_ =	shalt  }
0x41: {  	_ =	shalt  }
0x42: {  	_ =	shalt  }
0x43: {  	_ =	shalt  }
0x44: {  	_ =	shalt  }
0x45: {  	_ =	shalt  }
0x46: {  	_ =	shalt  }
0x47: {  	_ =	shalt  }
0x48: {  	_ =	shalt  }
0x49: {  	_ =	shalt  }
0x4a: {  	_ =	shalt  }
0x4b: {  	_ =	shalt  }
0x4c: {  	_ =	shalt  }
0x4d: {  	_ =	shalt  }
0x4e: {  	_ =	shalt  }
0x4f: {  	_ =	shalt  }
0x50: {  	_ =	shalt  }
0x51: {  	_ =	shalt  }
0x52: {  	_ =	shalt  }
0x53: {  	_ =	shalt  }
0x54: {  	_ =	shalt  }
0x55: {  	_ =	shalt  }
0x56: {  	_ =	shalt  }
0x57: {  	_ =	shalt  }
0x58: {  	_ =	shalt  }
0x59: {  	_ =	shalt  }
0x5a: {  	_ =	shalt  }
0x5b: {  	_ =	shalt  }
0x5c: {  	_ =	shalt  }
0x5d: {  	_ =	shalt  }
0x5e: {  	_ =	shalt  }
0x5f: {  	_ =	shalt  }
0x60: {  	_ =	shalt  }
0x61: {  	_ =	shalt  }
0x62: {  	_ =	shalt  }
0x63: {  	_ =	shalt  }
0x64: {  	_ =	shalt  }
0x65: {  	_ =	shalt  }
0x66: {  	_ =	shalt  }
0x67: {  	_ =	shalt  }
0x68: {  	_ =	shalt  }
0x69: {  	_ =	shalt  }
0x6a: {  	_ =	shalt  }
0x6b: {  	_ =	shalt  }
0x6c: {  	_ =	shalt  }
0x6d: {  	_ =	shalt  }
0x6e: {  	_ =	shalt  }
0x6f: {  	_ =	shalt  }
0x70: {  	_ =	shalt  }
0x71: {  	_ =	shalt  }
0x72: {  	_ =	shalt  }
0x73: {  	_ =	shalt  }
0x74: {  	_ =	shalt  }
0x75: {  	_ =	shalt  }
0x76: {  	_ =	shalt  }
0x77: {  	_ =	shalt  }
0x78: {  	_ =	shalt  }
0x79: {  	_ =	shalt  }
0x7a: {  	_ =	shalt  }
0x7b: {  	_ =	shalt  }
0x7c: {  	_ =	shalt  }
0x7d: {  	_ =	shalt  }
0x7e: {  	_ =	shalt  }
0x7f: {  	_ =	shalt  }
0x80: {  	_ =	shalt  }
0x81: {  	_ =	shalt  }
0x82: {  	_ =	shalt  }
0x83: {  	_ =	shalt  }
0x84: {  	_ =	shalt  }
0x85: {  	_ =	shalt  }
0x86: {  	_ =	shalt  }
0x87: {  	_ =	shalt  }
.Lfunc_end0:
.L_simem_size_0:
called_computation_lowered:
.L_overlay_start_0:
0x88: {  	s2 =	sld [smem:$0x3FD9]  }
0x89: {  	s3 =	sld [smem:$0x3FFE];
	_ =	sdelay $0x1  }
0x8a: {  	s1 =	srdreg.scid  }
0x8b: {  	s0 =	sand.u32 $0x1, s1  }
0x8c: {  	s17 =	sshll.u32 s0, $0xA;
	s2 =	sadd.s32 s3, s2  }
0x8d: {  	s2 =	sadd.s32 s2, s17  }
0x8e: {  	[smem:$0x3FC3] =	sst s2  }
0x8f: {  	_ = 	snop  }
0x90: {  	s2 =	sld [smem:$0x3FD0];
	(tm) =	ssettm $0x1  }
0x91: {  	s18 =	sld [smem:$0x3FFB];
	_ =	sdelay $0x3  }
0x92: {  	_ =	strace s18  }
0x93: {  	s3 =	sld [smem:$0x3FFC];
	_ =	sdelay $0x3  }
0x94: {  	_ =	strace s3  }
0x95: {  	s3 =	sld [smem:$0x3FFD];
	_ =	sdelay $0x3  }
0x96: {  	_ =	strace s3  }
0x97: {  	_ =	strace $0x8FFFFFFF  }
0x98: {  	s19 =	sld [smem:$0x3FDB];
	_ =	sdelay $0x1  }
0x99: {  	s4 =	simm.s32 $_scs_section_size  }
0x9a: {  	s5 =	simm.s32 $_size__tile_overlayer_lowered;
	s6 =	simm.s32 $_tile_overlayer_lowered  }
0x9b: {  	s22 =	simm.s32 $0x1BFF;
	s21 =	sshll.u32 s6, $0x1;
	s3 =	sadd.s32 s4, s19  }
0x9c: {  	s7 =	simm.s32 $0x0;
	s20 =	sshll.u32 s5, $0x1;
	s5 =	sadd.s32 s21, s3  }
0x9d: {  	[timem:s7], [sflag:s22] =	dma.local [hbm:s5], s20  }
0x9e: {  	_ =	swait.ge [sflag:s22], s20  }
0x9f: {  	s4 =	ssub.s32 $0x0, s20;
	[sflag:s22] =	ssyncset.done $0x0  }
0xa0: {  	[sflag:s22] =	ssyncadd.s32 s4;
	_ =	sdelay $0x1  }
0xa1: {  	s23 =	simm.s32 $0x1B8B  }
0xa2: {  	_ =	swait.ge [sflag:s23], $0x1  }
0xa3: {  	[sflag:s23] =	ssyncset.done $0x0  }
0xa4: {  	s25 =	simm.s32 $0x1B8E;
	s24 =	sld [smem:$0x3FFE];
	[sflag:s23] =	ssyncadd.s32 $0xFFFFFFFF  }
0xa5: {  	s26 =	simm.s32 $execute0_lowered;
	[smem:$0x3FD2] =	sst s25  }
0xa6: {  	s5 =	sshll.u32 s26, $0x1;
	_ =	strace $0x80000046;
	[dreg:$0x1] =	wrdreg $0xFFFFFFFF  }
0xa7: {  	s28 =	simm.s32 $_size_execute0_lowered;
	s3 =	sadd.s32 s3, s5;
	[dreg:$0x0] =	wrdreg $0x0  }
0xa8: {  	s5 =	sshll.u32 s28, $0x1;
	[dreg:$0x2] =	wrdreg s3  }
0xa9: {  	[dreg:$0x3] =	wrdreg s5  }
0xaa: {  	[dreg:$0x4] =	wrdreg $0xC0  }
0xab: {  	_ =	task [dreg:s7], $0x5FFFF  }
0xac: {  	[dreg:$0x1] =	wrdreg $0xFFFFFFFF  }
0xad: {  	[dreg:$0x0] =	wrdreg $0x60  }
0xae: {  	[dreg:$0x2] =	wrdreg s2  }
0xaf: {  	[dreg:$0x3] =	wrdreg s24  }
0xb0: {  	[dreg:$0x4] =	wrdreg $0x13E800  }
0xb1: {  	[dreg:$0x5] =	wrdreg $0x9  }
0xb2: {  	_ =	task.clear_ibuf [dreg:s7], $0x6FFFF;
	_ =	strace $0x90000046  }
0xb3: {  	s29 =	simm.s32 $0x9;
	_ =	strace $0x80000048  }
0xb4: {  	_ =	swait.ge [sflag:s29], $0x1  }
0xb5: {  	[sflag:s29] =	ssyncadd.s32 $0xFFFFFFFF  }
0xb6: {  	_ =	strace $0x90000048  }
0xb7: {  	_ =	sfence  }
0xb8: {  	s30 =	sld [smem:$0x0];
	_ =	sdelay $0x2  }
0xb9: {  	s31 =	sshll.u32 s1, $0xD;
	s1 =	sshrl.u32 s1, $0x2  }
0xba: {  	s3 =	sand.u32 $0x4000, s31;
	s1 =	sadd.s32 s1, s30  }
0xbb: {  	s0 =	sor.u32 s3, s0;
	s1 =	sshll.u32 s1, $0x11  }
0xbc: {  	s0 =	sor.u32 s1, s0  }
0xbd: {  	s0 =	sadd.s32 $0x8F2B, s0  }
0xbe: {  	[sflag:s0] =	ssyncadd.remote.s32 $0x1  }
0xbf: {  	_ =	sfence.sel $0xFFFF  }
0xc0: {  	[dreg:$0x0] =	wrdreg $0xFFFFFFFF;
	(pc) =	sbr.abs _section_cstart, $3  }
0xc1: {  	[dreg:$0x1] =	wrdreg $0xFFFFFFFF  }
0xc2: {  	_ =	task.clear_ibuf [dreg:s7], $0x2FFFF;
	_ =	strace $0x9FFFFFFF  }
0xc3: {  	(tm) =	ssettm $0x7FFFFFFF  }
tec
execute0_lowered:
.L_overlay_start_1:
0x0: {  	(tag) =	ssettag $0x1  }
0x1: {  	s0 =	rddreg [dreg:$0x0]  }
0x2: {  	s1 =	rddreg [dreg:$0x1];
	s2 =	srdreg.scid  }
0x3: {  	s3 =	rddreg [dreg:$0x2];
	s8 =	stileid.u32;
	s5 =	simm.s32 $0x0  }
0x4: {  	s31 =	simm.s32 $0x4;
	s28 =	simm.s32 $0x2;
	s6 =	smul.u32 $0xB000, s8  }
0x5: {  	s29 =	simm.s32 $0x9E00;
	s30 =	simm.s32 $0xEE80;
	s11 =	smul.u32 $0x9C4, s8  }
0x6: {  	s2 =	sand.u32 $0x1, s2;
	[smem:$0x7FF] =	sst s5;
	s8 =	smul.u32 $0x2C000, s8  }
0x7: {  	s4 =	smul.u32 $0xB0000, s2;
	_ =	strace $0x80000047;
	s7 =	ssub.s32 $0x2, s2  }
0x8: {  	s2 =	smul.u32 $0x1388, s2;
	s9 =	sadd.s32 s11, s1;
	s12 =	sshrl.u32 s7, $0x1  }
0x9: {  	s13 =	sshrl.u32 s8, $0x2;
	s17 =	sadd.s32 s6, s3;
	s14 =	sadd.s32 $0xA200, s9  }
0xa: {  	s5 =	sadd.s32 s13, s3;
	s15 =	sadd.s32 $0x400, s9;
	[dreg:$0x4] =	wrdreg s14  }
0xb: {  	s8 =	simm.s32 $0x0;
	[dreg:$0x5] =	wrdreg s15;
	s19 =	sadd.s32 $0x1000, s5  }
0xc: {  	s4 =	sadd.s32 s6, s4;
	s20 =	sadd.s32 $0x2000, s5;
	[dreg:$0x8] =	wrdreg s19  }
0xd: {  	s16 =	sadd.s32 $0x1388, s2;
	s21 =	sadd.s32 $0x3000, s5;
	[dreg:$0x9] =	wrdreg s20  }
0xe: {  	v0 =	vmov s2;
	s2 =	simm.s32 $0x3;
	s22 =	sadd.s32 $0x4000, s5;
	[dreg:$0xa] =	wrdreg s21  }
0xf: {  	s6 =	simm.s32 $0x9E40;
	s23 =	sadd.s32 $0x5000, s5;
	[dreg:$0xb] =	wrdreg s22  }
0x10: {  	s4 =	sshrl.u32 s4, $0x3;
	s24 =	sadd.s32 $0x6000, s5;
	[dreg:$0xc] =	wrdreg s23  }
0x11: {  	s25 =	sadd.s32 $0x7000, s5;
	s26 =	sadd.s32 $0x8000, s5;
	[dreg:$0xd] =	wrdreg s24  }
0x12: {  	s18 =	sadd.s32 $0x9000, s5;
	s1 =	sadd.s32 s4, s1;
	[dreg:$0xe] =	wrdreg s25  }
0x13: {  	s4 =	ssub.s32 s7, s12;
	[dreg:$0xf] =	wrdreg s26;
	s19 =	sadd.s32 $0xA000, s5  }
.Ltmp0:
0x14: {  	s20 =	simm.s32 $0x12E80;
	s21 =	simm.s32 $0x7;
	(pc) =	sbr.rel .LBB2_1-.Ltmp0, $4  }
0x15: {  	s23 =	sshrl.u32 s17, $0x3;
	s24 =	simm.s32 $0x1;
	s25 =	simm.s32 $0x40  }
0x16: {  	s22 =	simm.s32 $0x9DC0;
	s26 =	simm.s32 $0xCE80;
	s1 =	sadd.s32 $0x14000, s1  }
0x17: {  	v2 =	vimm.f32 $0.0e+00;
	s7 =	simm.s32 $0x10E80;
	s4 =	smax.u32 s4, $0x1;
	[dreg:$0x6] =	wrdreg s1  }
0x18: {  	v3 =	vimm.s32 $0x0;
	v4 =	vlaneseq.u32;
	v1 =	vmov s16;
	[dreg:$0x7] =	wrdreg s4;
	s1 =	simm.s32 $0x5;
	s4 =	simm.s32 $0x6  }
.LBB2_16:
0x19: {  	_ =	swait.ge [sflag:s31], $0x2000  }
0x1a: {  	[sflag:s31] =	ssyncset.done $0x0  }
0x1b: {  	[sflag:s31] =	ssyncadd.s32 $0xFFFFE000  }
0x1c: {  	_ =	swait.ge [sflag:s1], $0x2000  }
0x1d: {  	[sflag:s1] =	ssyncset.done $0x0  }
0x1e: {  	[sflag:s1] =	ssyncadd.s32 $0xFFFFE000  }
0x1f: {  	_ =	swait.ge [sflag:s4], $0x2000  }
0x20: {  	[sflag:s4] =	ssyncset.done $0x0  }
0x21: {  	s9 =	stileid.u32;
	[sflag:s4] =	ssyncadd.s32 $0xFFFFE000  }
0x22: {  	s9 =	sshll.u32 s9, $0x6;
	[bflag:$0x0] =	sbarrier.arrive $0xFFFF  }
0x23: {  	s9 =	sor.u32 $0x1C07, s9;
	s10 =	rddreg [dreg:$0x6]  }
0x24: {  	[hbm:s10], [sflag:s9] =	dma.local [spmem:s23], $0x1600  }
0x25: {  	_ =	swait.ge [sflag:s21], $0x1600  }
0x26: {  	s8 =	sadd.s32 $0x1, s8;
	s17 =	rddreg [dreg:$0x7]  }
0x27: {  	p0 =	sne.s32 s8, s17  }
.Ltmp1:
0x28: {  	_ = 	snop;
	(pc) =	sbr.rel @!p0 .LBB2_17-.Ltmp1, $3  }
0x29: {  	_ =	sdelay $0x1  }
0x2a: {  	[sflag:s21] =	ssyncset.done $0x0  }
0x2b: {  	[sflag:s21] =	ssyncadd.s32 $0xFFFFEA00  }
.LBB2_1:
0x2c: {  	s9 =	simm.s32 $0x0;
	s10 =	simm.s32 $0x200  }
.LBB2_2:
0x2d: {  	p0 =	sne.s32 s10, $0x3E00;
	[tilespmem:s9+$0x12EF0] =	vst v2  }
0x2e: {  	[tilespmem:s9+$0x12E80] =	vst v2  }
0x2f: {  	[tilespmem:s9+$0x12E90] =	vst v2  }
.Ltmp2:
0x30: {  	[tilespmem:s9+$0x12EA0] =	vst v2;
	(pc) =	sbr.rel @p0 .LBB2_2-.Ltmp2, $4  }
0x31: {  	[tilespmem:s9+$0x12EB0] =	vst v2  }
0x32: {  	[tilespmem:s9+$0x12EC0] =	vst v2  }
0x33: {  	[tilespmem:s9+$0x12ED0] =	vst v2  }
0x34: {  	[tilespmem:s9+$0x12EE0] =	vst v2;
	s9 =	sshra.s32 s10, $0x2;
	s10 =	sadd.s32 $0x200, s10  }
0x35: {  	[tilespmem:s9+$0x12EF0] =	vst v2  }
0x36: {  	[tilespmem:s9+$0x12E80] =	vst v2  }
0x37: {  	[tilespmem:s9+$0x12E90] =	vst v2  }
0x38: {  	[tilespmem:s9+$0x12EA0] =	vst v2  }
0x39: {  	[tilespmem:s9+$0x12EB0] =	vst v2  }
0x3a: {  	[tilespmem:s9+$0x12EC0] =	vst v2  }
0x3b: {  	[tilespmem:s9+$0x12ED0] =	vst v2  }
0x3c: {  	[tilespmem:s9+$0x12EE0] =	vst v2  }
0x3d: {  	[spmem:s5] =	stream.linear.scatter [tilespmem:s20], [sflag:$0x7], $0x1000, $0x38;
	[tilespmem:$0x1EE80] =	vst v63  }
0x3e: {  	_ =	swait.ge [sflag:s21], $0x1000  }
0x3f: {  	[sflag:s21] =	ssyncset.done $0x0  }
0x40: {  	s16 =	rddreg [dreg:$0x8];
	[sflag:s21] =	ssyncadd.s32 $0xFFFFF000  }
0x41: {  	[spmem:s16] =	stream.linear.scatter [tilespmem:s20], [sflag:$0x7], $0x1000, $0x38;
	[tilespmem:$0x1EE80] =	vst v63  }
0x42: {  	_ =	swait.ge [sflag:s21], $0x1000  }
0x43: {  	[sflag:s21] =	ssyncset.done $0x0  }
0x44: {  	s17 =	rddreg [dreg:$0x9];
	[sflag:s21] =	ssyncadd.s32 $0xFFFFF000  }
0x45: {  	[spmem:s17] =	stream.linear.scatter [tilespmem:s20], [sflag:$0x7], $0x1000, $0x38;
	[tilespmem:$0x1EE80] =	vst v63  }
0x46: {  	_ =	swait.ge [sflag:s21], $0x1000  }
0x47: {  	[sflag:s21] =	ssyncset.done $0x0  }
0x48: {  	s10 =	rddreg [dreg:$0xa];
	[sflag:s21] =	ssyncadd.s32 $0xFFFFF000  }
0x49: {  	[spmem:s10] =	stream.linear.scatter [tilespmem:s20], [sflag:$0x7], $0x1000, $0x38;
	[tilespmem:$0x1EE80] =	vst v63  }
0x4a: {  	_ =	swait.ge [sflag:s21], $0x1000  }
0x4b: {  	[sflag:s21] =	ssyncset.done $0x0  }
0x4c: {  	s11 =	rddreg [dreg:$0xb];
	[sflag:s21] =	ssyncadd.s32 $0xFFFFF000  }
0x4d: {  	[spmem:s11] =	stream.linear.scatter [tilespmem:s20], [sflag:$0x7], $0x1000, $0x38;
	[tilespmem:$0x1EE80] =	vst v63  }
0x4e: {  	_ =	swait.ge [sflag:s21], $0x1000  }
0x4f: {  	[sflag:s21] =	ssyncset.done $0x0  }
0x50: {  	s12 =	rddreg [dreg:$0xc];
	[sflag:s21] =	ssyncadd.s32 $0xFFFFF000  }
0x51: {  	[spmem:s12] =	stream.linear.scatter [tilespmem:s20], [sflag:$0x7], $0x1000, $0x38;
	[tilespmem:$0x1EE80] =	vst v63  }
0x52: {  	_ =	swait.ge [sflag:s21], $0x1000  }
0x53: {  	[sflag:s21] =	ssyncset.done $0x0  }
0x54: {  	s13 =	rddreg [dreg:$0xd];
	[sflag:s21] =	ssyncadd.s32 $0xFFFFF000  }
0x55: {  	[spmem:s13] =	stream.linear.scatter [tilespmem:s20], [sflag:$0x7], $0x1000, $0x38;
	[tilespmem:$0x1EE80] =	vst v63  }
0x56: {  	_ =	swait.ge [sflag:s21], $0x1000  }
0x57: {  	[sflag:s21] =	ssyncset.done $0x0  }
0x58: {  	s14 =	rddreg [dreg:$0xe];
	[sflag:s21] =	ssyncadd.s32 $0xFFFFF000  }
0x59: {  	[spmem:s14] =	stream.linear.scatter [tilespmem:s20], [sflag:$0x7], $0x1000, $0x38;
	[tilespmem:$0x1EE80] =	vst v63  }
0x5a: {  	_ =	swait.ge [sflag:s21], $0x1000  }
0x5b: {  	[sflag:s21] =	ssyncset.done $0x0  }
0x5c: {  	s15 =	rddreg [dreg:$0xf];
	[sflag:s21] =	ssyncadd.s32 $0xFFFFF000  }
0x5d: {  	[spmem:s15] =	stream.linear.scatter [tilespmem:s20], [sflag:$0x7], $0x1000, $0x38;
	[tilespmem:$0x1EE80] =	vst v63  }
0x5e: {  	_ =	swait.ge [sflag:s21], $0x1000  }
0x5f: {  	[sflag:s21] =	ssyncset.done $0x0  }
0x60: {  	[sflag:s21] =	ssyncadd.s32 $0xFFFFF000  }
0x61: {  	[spmem:s18] =	stream.linear.scatter [tilespmem:s20], [sflag:$0x7], $0x1000, $0x38;
	[tilespmem:$0x1EE80] =	vst v63  }
0x62: {  	_ =	swait.ge [sflag:s21], $0x1000  }
0x63: {  	[sflag:s21] =	ssyncset.done $0x0  }
0x64: {  	[sflag:s21] =	ssyncadd.s32 $0xFFFFF000  }
0x65: {  	[spmem:s19] =	stream.linear.scatter [tilespmem:s20], [sflag:$0x7], $0x1000, $0x38;
	[tilespmem:$0x1EE80] =	vst v63  }
0x66: {  	_ =	swait.ge [sflag:s21], $0x1000  }
0x67: {  	[sflag:s21] =	ssyncset.done $0x0  }
0x68: {  	s9 =	simm.s32 $0x0;
	s10 =	rddreg [dreg:$0x4];
	[sflag:s21] =	ssyncadd.s32 $0xFFFFF000  }
0x69: {  	[tilespmem:s9], [sflag:$0x7] =	stream.linear.gather [hbm4b:s10+s9], $0x4E20, $0x38;
	[tilespmem:$0x1EE80] =	vst v63  }
0x6a: {  	_ =	swait.ge [sflag:s21], $0x4E20  }
0x6b: {  	[sflag:s21] =	ssyncset.done $0x0  }
0x6c: {  	s11 =	simm.s32 $0x4EE0;
	s16 =	rddreg [dreg:$0x5];
	[sflag:s21] =	ssyncadd.s32 $0xFFFFB1E0  }
0x6d: {  	[tilespmem:s11], [sflag:$0x7] =	stream.linear.gather [hbm4b:s16+s9], $0x4E20, $0x38;
	[tilespmem:$0x1EE80] =	vst v63  }
0x6e: {  	_ =	swait.ge [sflag:s21], $0x4E20  }
0x6f: {  	[sflag:s21] =	ssyncset.done $0x0  }
0x70: {  	s17 =	simm.s32 $0x0;
	[sflag:s21] =	ssyncadd.s32 $0xFFFFB1E0  }
0x71: {  	v5 =	vld [tilespmem:s17+$0x4EE0];
	_ =	sdelay $0x4  }
0x72: {  	vm0 =	vge.s32 v5, v0;
	vm1 =	vlt.s32 v5, v1  }
0x73: {  	vm0 =	vmand vm0, vm1  }
0x74: {  	v7 =	vmpcnt.ones.xlane vm0;
	_ =	sdelay $0x1  }
0x75: {  	(v2sf) =	vpush v7, $0x0  }
0x76: {  	v6 =	vld [tilespmem:s17+$0x0];
	_ =	sdelay $0x2  }
0x77: {  	v5 =	vsub.s32 v5, v0  }
0x78: {  	[tilespmem:s9+$0x4EE0] =	vst.msk vm0, v5  }
0x79: {  	s10 =	simm.s32 $0x80;
	s11 =	simm.s32 $0x10;
	[tilespmem:s9+$0x0] =	vst.msk vm0, v6  }
.LBB2_4:
0x7a: {  	p0 =	sne.s32 s10, $0x13840;
	v5 =	vld [tilespmem:s11+$0x4EE0];
	_ =	sdelay $0x4  }
0x7b: {  	vm0 =	vge.s32 v5, v0;
	vm1 =	vlt.s32 v5, v1;
	v5 =	vsub.s32 v5, v0  }
0x7c: {  	v6 =	vld [tilespmem:s11+$0x0];
	vm0 =	vmand vm0, vm1  }
0x7d: {  	v7 =	vmpcnt.ones.xlane vm0  }
0x7e: {  	s11 =	spop (v2sf)  }
0x7f: {  	(v2sf) =	vpush v7, $0x0;
	s9 =	sadd.s32 s9, s11  }
0x80: {  	[tilespmem:s9+$0x4EE0] =	vst.msk vm0, v5  }
.Ltmp3:
0x81: {  	[tilespmem:s9+$0x0] =	vst.msk vm0, v6;
	(pc) =	sbr.rel @p0 .LBB2_4-.Ltmp3, $2  }
0x82: {  	_ =	sdelay $0x2  }
0x83: {  	s11 =	sshra.s32 s10, $0x2;
	s10 =	sadd.s32 $0x40, s10  }
0x84: {  	v5 =	vld [tilespmem:s11+$0x4EE0];
	_ =	sdelay $0x4  }
0x85: {  	vm0 =	vge.s32 v5, v0;
	vm1 =	vlt.s32 v5, v1  }
0x86: {  	vm0 =	vmand vm0, vm1  }
0x87: {  	v6 =	vmpcnt.ones.xlane vm0;
	_ =	sdelay $0x1  }
0x88: {  	(v2sf) =	vpush v6, $0x0;
	_ =	sdelay $0xc  }
0x89: {  	v6 =	vld [tilespmem:s11+$0x0]  }
0x8a: {  	s10 =	spop (v2sf)  }
0x8b: {  	s9 =	sadd.s32 s9, s10;
	s16 =	spop (v2sf)  }
0x8c: {  	v5 =	vsub.s32 v5, v0;
	s10 =	sadd.s32 s9, s16  }
0x8d: {  	[tilespmem:s9+$0x4EE0] =	vst.msk vm0, v5;
	s10 =	sshll.u32 s10, $0x2  }
0x8e: {  	s17 =	simm.s32 $0x1388;
	[tilespmem:s9+$0x0] =	vst.msk vm0, v6;
	s12 =	sshra.s32 s10, $0x2  }
0x8f: {  	v5 =	vadd.s32 s17, v4;
	s10 =	sadd.s32 $0x4EE0, s12;
	[tilespmem:s12+$0x0] =	vst v3  }
0x90: {  	s11 =	simm.s32 $0x1398;
	s9 =	sadd.s32 s9, s16;
	s12 =	sadd.s32 $0x10, s12;
	[tilespmem:s10+$0x0] =	vst v5  }
.LBB2_6:
0x91: {  	[tilespmem:s12+$0x0] =	vst v3;
	v5 =	vadd.s32 s11, v4;
	p0 =	sne.s32 s11, $0x1438;
	s11 =	sadd.s32 $0x10, s11;
	s10 =	sadd.s32 $0x10, s10  }
.Ltmp4:
0x92: {  	[tilespmem:s10+$0x0] =	vst v5;
	(pc) =	sbr.rel @p0 .LBB2_6-.Ltmp4, $2  }
0x93: {  	_ =	sdelay $0x2  }
0x94: {  	s12 =	sadd.s32 $0x10, s12  }
0x95: {  	s10 =	smulhi.u32 $0x2AAAAAAB, s9;
	s11 =	sshra.s32 s9, $0x1F  }
0x96: {  	s11 =	smul.u32 $0x2AAAAAAB, s11;
	_ =	sdelay $0x1  }
0x97: {  	s10 =	sadd.s32 s11, s10  }
0x98: {  	s11 =	sshrl.u32 s10, $0x1F;
	s10 =	sshra.s32 s10, $0x5  }
0x99: {  	s12 =	ssub.s32 $0x0, s9;
	[bflag:$0x0] =	sbarrier.arrive $0xFFFF;
	s10 =	sadd.s32 s11, s10  }
0x9a: {  	s13 =	simm.s32 $0x0;
	s14 =	simm.s32 $0x9E80;
	s11 =	smul.u32 $0xFFFFFF40, s10  }
0x9b: {  	[tilespmem:s14], [sflag:$0x1] =	stream.indirect.gather [hbm4b:s0+s25], $0x40, s13, s25, $0xb8;
	[tilespmem:$0x1EE80] =	vst v63  }
0x9c: {  	p0 =	slt.s32 s9, $0x1;
	p1 =	sne.s32 s11, s12  }
0x9d: {  	p0 =	por !p0, !p1  }
0x9e: {  	s9 =	simm.s32 $0x1;
	p0 =	por !p0, !p0  }
0x9f: {  	s9 =	simm.s32 @!p0 $0x0  }
0xa0: {  	s9 =	ssub.s32 s10, s9  }
0xa1: {  	p1 =	slt.s32 s9, $0x0  }
.Ltmp5:
0xa2: {  	_ = 	snop;
	(pc) =	sbr.rel @p1 .LBB2_16-.Ltmp5, $4  }
0xa3: {  	s15 =	simm.s32 $0xAE80  }
0xa4: {  	[tilespmem:s15], [sflag:$0x2] =	stream.indirect.gather [hbm4b:s0+s25], $0x40, s25, s25, $0xb8;
	[tilespmem:$0x1EE80] =	vst v63  }
0xa5: {  	s16 =	simm.s32 $0x80;
	s17 =	simm.s32 $0xBE80  }
0xa6: {  	[tilespmem:s17], [sflag:$0x3] =	stream.indirect.gather [hbm4b:s0+s25], $0x40, s16, s25, $0xb8;
	[tilespmem:$0x1EE80] =	vst v63  }
0xa7: {  	s11 =	simm.s32 $0xFFFFFFFF  }
0xa8: {  	s12 =	smul.u32 $0x3, s9;
	s11 =	simm.s32 @!p0 $0x0  }
0xa9: {  	s11 =	sadd.s32 s11, s10  }
0xaa: {  	s10 =	sadd.s32 $0x3, s12;
	s12 =	simm.s32 $0x0;
	s11 =	sadd.s32 $0x1, s11  }
.LBB2_9:
0xab: {  	_ =	swait.ge [sflag:s24], $0x1000  }
0xac: {  	p0 =	sne.s32 s12, $0x0;
	[sflag:s24] =	ssyncset.done $0x0  }
0xad: {  	s14 =	simm.s32 @p0 $0x4;
	[sflag:s24] =	ssyncadd.s32 $0xFFFFF000  }
0xae: {  	_ =	swait.ge @p0 [sflag:s14], $0x2000  }
0xaf: {  	[sflag:s14] =	ssyncset.done @p0 $0x0  }
0xb0: {  	s15 =	simm.s32 $0x0;
	[sflag:s14] =	ssyncadd.s32 @p0 $0xFFFFE000  }
0xb1: {  	v5 =	vld [tilespmem:s15+$0x9E80];
	_ =	sdelay $0x4  }
0xb2: {  	s14 =	simm.s32 $0xCEC0;
	v6 =	vshll.u32 v5, $0x10  }
0xb3: {  	v5 =	vand.u32 $0xFFFF0000, v5;
	[tilespmem:s14+$0xFFFFFFC0] =	vst v6  }
0xb4: {  	[tilespmem:s14+$0x0] =	vst v5  }
0xb5: {  	v5 =	vld [tilespmem:s15+$0x9E90];
	_ =	sdelay $0x4  }
0xb6: {  	v6 =	vshll.u32 v5, $0x10  }
0xb7: {  	v5 =	vand.u32 $0xFFFF0000, v5;
	[tilespmem:s14+$0xFFFFFFD0] =	vst v6  }
0xb8: {  	[tilespmem:s14+$0x10] =	vst v5  }
0xb9: {  	v5 =	vld [tilespmem:s15+$0x9EA0];
	_ =	sdelay $0x4  }
0xba: {  	v6 =	vand.u32 $0xFFFF0000, v5  }
0xbb: {  	v5 =	vshll.u32 v5, $0x10;
	[tilespmem:s14+$0x20] =	vst v6  }
0xbc: {  	[tilespmem:s14+$0xFFFFFFE0] =	vst v5  }
0xbd: {  	v5 =	vld [tilespmem:s15+$0x9EB0];
	_ =	sdelay $0x4  }
0xbe: {  	v6 =	vshll.u32 v5, $0x10  }
0xbf: {  	v5 =	vand.u32 $0xFFFF0000, v5;
	[tilespmem:s14+$0xFFFFFFF0] =	vst v6  }
0xc0: {  	s15 =	simm.s32 $0x40;
	[tilespmem:s14+$0x30] =	vst v5  }
0xc1: {  	v5 =	vld [tilespmem:s15+$0x9E80]  }
0xc2: {  	s13 =	smul.u32 $0x3, s12;
	s16 =	simm.s32 $0x200  }
.LBB2_10:
0xc3: {  	p1 =	seq.s32 s16, $0x3F00;
	_ =	sdelay $0x2  }
0xc4: {  	s14 =	sadd.s32 $0x80, s14;
	v6 =	vshll.u32 v5, $0x10  }
0xc5: {  	v5 =	vand.u32 $0xFFFF0000, v5;
	[tilespmem:s14+$0xFFFFFFC0] =	vst v6  }
0xc6: {  	[tilespmem:s14+$0x0] =	vst v5  }
0xc7: {  	v5 =	vld [tilespmem:s15+$0x9E90];
	_ =	sdelay $0x4  }
0xc8: {  	v6 =	vshll.u32 v5, $0x10  }
0xc9: {  	v5 =	vand.u32 $0xFFFF0000, v5;
	[tilespmem:s14+$0xFFFFFFD0] =	vst v6  }
0xca: {  	[tilespmem:s14+$0x10] =	vst v5  }
0xcb: {  	v5 =	vld [tilespmem:s15+$0x9EA0];
	_ =	sdelay $0x4  }
0xcc: {  	v6 =	vshll.u32 v5, $0x10;
	v5 =	vand.u32 $0xFFFF0000, v5  }
0xcd: {  	[tilespmem:s14+$0x20] =	vst v5  }
0xce: {  	[tilespmem:s14+$0xFFFFFFE0] =	vst v6  }
0xcf: {  	v5 =	vld [tilespmem:s15+$0x9EB0];
	_ =	sdelay $0x4  }
.Ltmp6:
0xd0: {  	v6 =	vshll.u32 v5, $0x10;
	v5 =	vand.u32 $0xFFFF0000, v5;
	(pc) =	sbr.rel @!p1 .LBB2_10-.Ltmp6, $4  }
0xd1: {  	[tilespmem:s14+$0xFFFFFFF0] =	vst v6  }
0xd2: {  	s15 =	sshra.s32 s16, $0x2;
	[tilespmem:s14+$0x30] =	vst v5  }
0xd3: {  	v5 =	vld [tilespmem:s15+$0x9E80]  }
0xd4: {  	s16 =	sadd.s32 $0x100, s16  }
0xd5: {  	_ =	sdelay $0x2  }
0xd6: {  	s14 =	sadd.s32 $0x80, s14;
	v6 =	vshll.u32 v5, $0x10  }
0xd7: {  	v5 =	vand.u32 $0xFFFF0000, v5;
	[tilespmem:s14+$0xFFFFFFC0] =	vst v6  }
0xd8: {  	[tilespmem:s14+$0x0] =	vst v5  }
0xd9: {  	v5 =	vld [tilespmem:s15+$0x9E90];
	_ =	sdelay $0x4  }
0xda: {  	v6 =	vshll.u32 v5, $0x10  }
0xdb: {  	v5 =	vand.u32 $0xFFFF0000, v5;
	[tilespmem:s14+$0xFFFFFFD0] =	vst v6  }
0xdc: {  	[tilespmem:s14+$0x10] =	vst v5  }
0xdd: {  	v5 =	vld [tilespmem:s15+$0x9EA0];
	_ =	sdelay $0x4  }
0xde: {  	v6 =	vand.u32 $0xFFFF0000, v5  }
0xdf: {  	v5 =	vshll.u32 v5, $0x10;
	[tilespmem:s14+$0x20] =	vst v6  }
0xe0: {  	[tilespmem:s14+$0xFFFFFFE0] =	vst v5  }
0xe1: {  	v5 =	vld [tilespmem:s15+$0x9EB0];
	_ =	sdelay $0x4  }
0xe2: {  	s15 =	smul.u32 $0x300, s12;
	v6 =	vshll.u32 v5, $0x10  }
0xe3: {  	v5 =	vand.u32 $0xFFFF0000, v5;
	[tilespmem:s14+$0xFFFFFFF0] =	vst v6  }
0xe4: {  	[tilespmem:s14+$0x30] =	vst v5;
	s14 =	sshra.s32 s15, $0x2  }
0xe5: {  	v5 =	vld [tilespmem:s14+$0x4EE0];
	_ =	sdelay $0x4  }
0xe6: {  	[tilespmem:$0x9DC0] =	vst v5  }
0xe7: {  	v5 =	vld [tilespmem:s14+$0x4EF0];
	_ =	sdelay $0x4  }
0xe8: {  	[tilespmem:$0x9DD0] =	vst v5  }
0xe9: {  	v5 =	vld [tilespmem:s14+$0x4F00];
	_ =	sdelay $0x4  }
0xea: {  	[tilespmem:$0x9DE0] =	vst v5  }
0xeb: {  	v5 =	vld [tilespmem:s14+$0x4F10];
	_ =	sdelay $0x3  }
0xec: {  	p1 =	slt.s32 s12, s9  }
0xed: {  	s15 =	sshra.s32 @p1 s15, $0x2;
	[tilespmem:$0x9DF0] =	vst v5  }
0xee: {  	[spmem:s3] =	stream.indirect.scatter.add.f32 [tilespmem:s26], [sflag:$0x4], $0x80, s22, s25, $0xb8;
	[tilespmem:$0x1EE80] =	vst v63  }
0xef: {  	s16 =	simm.s32 @p1 $0x40;
	s17 =	simm.s32 @p1 $0x9E80;
	s15 =	sadd.s32 @p1 $0xC0, s15  }
0xf0: {  	[tilespmem:s17], [sflag:$0x1] =	stream.indirect.gather @p1 [hbm4b:s0+s16], $0x40, s15, s16, $0xb8;
	[tilespmem:$0x1EE80] =	vst v63  }
0xf1: {  	_ =	swait.ge [sflag:s28], $0x1000  }
0xf2: {  	[sflag:s28] =	ssyncset.done $0x0  }
0xf3: {  	s15 =	simm.s32 @p0 $0x5;
	[sflag:s28] =	ssyncadd.s32 $0xFFFFF000  }
0xf4: {  	_ =	swait.ge @p0 [sflag:s15], $0x2000  }
0xf5: {  	[sflag:s15] =	ssyncset.done @p0 $0x0  }
0xf6: {  	s17 =	simm.s32 $0x0;
	[sflag:s15] =	ssyncadd.s32 @p0 $0xFFFFE000  }
0xf7: {  	v5 =	vld [tilespmem:s17+$0xAE80];
	_ =	sdelay $0x4  }
0xf8: {  	s15 =	simm.s32 $0xEEC0;
	v6 =	vshll.u32 v5, $0x10  }
0xf9: {  	v5 =	vand.u32 $0xFFFF0000, v5;
	[tilespmem:s15+$0xFFFFFFC0] =	vst v6  }
0xfa: {  	[tilespmem:s15+$0x0] =	vst v5  }
0xfb: {  	v5 =	vld [tilespmem:s17+$0xAE90];
	_ =	sdelay $0x4  }
0xfc: {  	v6 =	vshll.u32 v5, $0x10  }
0xfd: {  	v5 =	vand.u32 $0xFFFF0000, v5;
	[tilespmem:s15+$0xFFFFFFD0] =	vst v6  }
0xfe: {  	[tilespmem:s15+$0x10] =	vst v5  }
0xff: {  	v5 =	vld [tilespmem:s17+$0xAEA0];
	_ =	sdelay $0x4  }
0x100: {  	v6 =	vand.u32 $0xFFFF0000, v5  }
0x101: {  	v5 =	vshll.u32 v5, $0x10;
	[tilespmem:s15+$0x20] =	vst v6  }
0x102: {  	[tilespmem:s15+$0xFFFFFFE0] =	vst v5  }
0x103: {  	v5 =	vld [tilespmem:s17+$0xAEB0];
	_ =	sdelay $0x4  }
0x104: {  	v6 =	vshll.u32 v5, $0x10  }
0x105: {  	v5 =	vand.u32 $0xFFFF0000, v5;
	[tilespmem:s15+$0xFFFFFFF0] =	vst v6  }
0x106: {  	s16 =	simm.s32 $0x40;
	[tilespmem:s15+$0x30] =	vst v5  }
0x107: {  	v5 =	vld [tilespmem:s16+$0xAE80]  }
0x108: {  	s17 =	simm.s32 $0x200  }
.LBB2_12:
0x109: {  	p1 =	seq.s32 s17, $0x3F00;
	_ =	sdelay $0x2  }
0x10a: {  	s15 =	sadd.s32 $0x80, s15;
	v6 =	vshll.u32 v5, $0x10  }
0x10b: {  	v5 =	vand.u32 $0xFFFF0000, v5;
	[tilespmem:s15+$0xFFFFFFC0] =	vst v6  }
0x10c: {  	[tilespmem:s15+$0x0] =	vst v5  }
0x10d: {  	v5 =	vld [tilespmem:s16+$0xAE90];
	_ =	sdelay $0x4  }
0x10e: {  	v6 =	vshll.u32 v5, $0x10  }
0x10f: {  	v5 =	vand.u32 $0xFFFF0000, v5;
	[tilespmem:s15+$0xFFFFFFD0] =	vst v6  }
0x110: {  	[tilespmem:s15+$0x10] =	vst v5  }
0x111: {  	v5 =	vld [tilespmem:s16+$0xAEA0];
	_ =	sdelay $0x4  }
0x112: {  	v6 =	vshll.u32 v5, $0x10;
	v5 =	vand.u32 $0xFFFF0000, v5  }
0x113: {  	[tilespmem:s15+$0x20] =	vst v5  }
0x114: {  	[tilespmem:s15+$0xFFFFFFE0] =	vst v6  }
0x115: {  	v5 =	vld [tilespmem:s16+$0xAEB0];
	_ =	sdelay $0x4  }
.Ltmp7:
0x116: {  	v6 =	vshll.u32 v5, $0x10;
	v5 =	vand.u32 $0xFFFF0000, v5;
	(pc) =	sbr.rel @!p1 .LBB2_12-.Ltmp7, $4  }
0x117: {  	[tilespmem:s15+$0xFFFFFFF0] =	vst v6  }
0x118: {  	s16 =	sshra.s32 s17, $0x2;
	[tilespmem:s15+$0x30] =	vst v5  }
0x119: {  	v5 =	vld [tilespmem:s16+$0xAE80]  }
0x11a: {  	s17 =	sadd.s32 $0x100, s17  }
0x11b: {  	_ =	sdelay $0x2  }
0x11c: {  	s15 =	sadd.s32 $0x80, s15;
	v6 =	vshll.u32 v5, $0x10  }
0x11d: {  	v5 =	vand.u32 $0xFFFF0000, v5;
	[tilespmem:s15+$0xFFFFFFC0] =	vst v6  }
0x11e: {  	[tilespmem:s15+$0x0] =	vst v5  }
0x11f: {  	v5 =	vld [tilespmem:s16+$0xAE90];
	_ =	sdelay $0x4  }
0x120: {  	v6 =	vshll.u32 v5, $0x10  }
0x121: {  	v5 =	vand.u32 $0xFFFF0000, v5;
	[tilespmem:s15+$0xFFFFFFD0] =	vst v6  }
0x122: {  	[tilespmem:s15+$0x10] =	vst v5  }
0x123: {  	v5 =	vld [tilespmem:s16+$0xAEA0];
	_ =	sdelay $0x4  }
0x124: {  	v6 =	vand.u32 $0xFFFF0000, v5  }
0x125: {  	v5 =	vshll.u32 v5, $0x10;
	[tilespmem:s15+$0x20] =	vst v6  }
0x126: {  	[tilespmem:s15+$0xFFFFFFE0] =	vst v5  }
0x127: {  	v5 =	vld [tilespmem:s16+$0xAEB0];
	_ =	sdelay $0x4  }
0x128: {  	v6 =	vshll.u32 v5, $0x10  }
0x129: {  	v5 =	vand.u32 $0xFFFF0000, v5;
	[tilespmem:s15+$0xFFFFFFF0] =	vst v6  }
0x12a: {  	[tilespmem:s15+$0x30] =	vst v5  }
0x12b: {  	v5 =	vld [tilespmem:s14+$0x4F20];
	_ =	sdelay $0x4  }
0x12c: {  	[tilespmem:$0x9E00] =	vst v5  }
0x12d: {  	v5 =	vld [tilespmem:s14+$0x4F30];
	_ =	sdelay $0x4  }
0x12e: {  	[tilespmem:$0x9E10] =	vst v5  }
0x12f: {  	v5 =	vld [tilespmem:s14+$0x4F40];
	_ =	sdelay $0x4  }
0x130: {  	[tilespmem:$0x9E20] =	vst v5  }
0x131: {  	v5 =	vld [tilespmem:s14+$0x4F50];
	_ =	sdelay $0x2  }
0x132: {  	s15 =	sadd.s32 $0x4, s13  }
0x133: {  	p1 =	slt.s32 s15, s10  }
0x134: {  	s15 =	sshll.u32 @p1 s15, $0x8;
	[tilespmem:$0x9E30] =	vst v5  }
0x135: {  	[spmem:s3] =	stream.indirect.scatter.add.f32 [tilespmem:s30], [sflag:$0x5], $0x80, s29, s25, $0xb8;
	[tilespmem:$0x1EE80] =	vst v63  }
0x136: {  	s16 =	simm.s32 @p1 $0x40;
	s17 =	simm.s32 @p1 $0xAE80;
	s15 =	sshra.s32 @p1 s15, $0x2  }
0x137: {  	[tilespmem:s17], [sflag:$0x2] =	stream.indirect.gather @p1 [hbm4b:s0+s16], $0x40, s15, s16, $0xb8;
	[tilespmem:$0x1EE80] =	vst v63  }
0x138: {  	_ =	swait.ge [sflag:s2], $0x1000  }
0x139: {  	[sflag:s2] =	ssyncset.done $0x0  }
0x13a: {  	s15 =	simm.s32 @p0 $0x6;
	[sflag:s2] =	ssyncadd.s32 $0xFFFFF000  }
0x13b: {  	_ =	swait.ge @p0 [sflag:s15], $0x2000  }
0x13c: {  	[sflag:s15] =	ssyncset.done @p0 $0x0  }
0x13d: {  	s17 =	simm.s32 $0x0;
	[sflag:s15] =	ssyncadd.s32 @p0 $0xFFFFE000  }
0x13e: {  	v5 =	vld [tilespmem:s17+$0xBE80];
	_ =	sdelay $0x4  }
0x13f: {  	s15 =	simm.s32 $0x10EC0;
	v6 =	vshll.u32 v5, $0x10  }
0x140: {  	v5 =	vand.u32 $0xFFFF0000, v5;
	[tilespmem:s15+$0xFFFFFFC0] =	vst v6  }
0x141: {  	[tilespmem:s15+$0x0] =	vst v5  }
0x142: {  	v5 =	vld [tilespmem:s17+$0xBE90];
	_ =	sdelay $0x4  }
0x143: {  	v6 =	vshll.u32 v5, $0x10  }
0x144: {  	v5 =	vand.u32 $0xFFFF0000, v5;
	[tilespmem:s15+$0xFFFFFFD0] =	vst v6  }
0x145: {  	[tilespmem:s15+$0x10] =	vst v5  }
0x146: {  	v5 =	vld [tilespmem:s17+$0xBEA0];
	_ =	sdelay $0x4  }
0x147: {  	v6 =	vand.u32 $0xFFFF0000, v5  }
0x148: {  	v5 =	vshll.u32 v5, $0x10;
	[tilespmem:s15+$0x20] =	vst v6  }
0x149: {  	[tilespmem:s15+$0xFFFFFFE0] =	vst v5  }
0x14a: {  	v5 =	vld [tilespmem:s17+$0xBEB0];
	_ =	sdelay $0x4  }
0x14b: {  	v6 =	vshll.u32 v5, $0x10  }
0x14c: {  	v5 =	vand.u32 $0xFFFF0000, v5;
	[tilespmem:s15+$0xFFFFFFF0] =	vst v6  }
0x14d: {  	s16 =	simm.s32 $0x40;
	[tilespmem:s15+$0x30] =	vst v5  }
0x14e: {  	v5 =	vld [tilespmem:s16+$0xBE80]  }
0x14f: {  	s17 =	simm.s32 $0x200  }
.LBB2_14:
0x150: {  	p0 =	seq.s32 s17, $0x3F00;
	_ =	sdelay $0x2  }
0x151: {  	s15 =	sadd.s32 $0x80, s15;
	v6 =	vshll.u32 v5, $0x10  }
0x152: {  	v5 =	vand.u32 $0xFFFF0000, v5;
	[tilespmem:s15+$0xFFFFFFC0] =	vst v6  }
0x153: {  	[tilespmem:s15+$0x0] =	vst v5  }
0x154: {  	v5 =	vld [tilespmem:s16+$0xBE90];
	_ =	sdelay $0x4  }
0x155: {  	v6 =	vshll.u32 v5, $0x10  }
0x156: {  	v5 =	vand.u32 $0xFFFF0000, v5;
	[tilespmem:s15+$0xFFFFFFD0] =	vst v6  }
0x157: {  	[tilespmem:s15+$0x10] =	vst v5  }
0x158: {  	v5 =	vld [tilespmem:s16+$0xBEA0];
	_ =	sdelay $0x4  }
0x159: {  	v6 =	vshll.u32 v5, $0x10;
	v5 =	vand.u32 $0xFFFF0000, v5  }
0x15a: {  	[tilespmem:s15+$0x20] =	vst v5  }
0x15b: {  	[tilespmem:s15+$0xFFFFFFE0] =	vst v6  }
0x15c: {  	v5 =	vld [tilespmem:s16+$0xBEB0];
	_ =	sdelay $0x4  }
.Ltmp8:
0x15d: {  	v6 =	vshll.u32 v5, $0x10;
	v5 =	vand.u32 $0xFFFF0000, v5;
	(pc) =	sbr.rel @!p0 .LBB2_14-.Ltmp8, $4  }
0x15e: {  	[tilespmem:s15+$0xFFFFFFF0] =	vst v6  }
0x15f: {  	s16 =	sshra.s32 s17, $0x2;
	[tilespmem:s15+$0x30] =	vst v5  }
0x160: {  	v5 =	vld [tilespmem:s16+$0xBE80]  }
0x161: {  	s17 =	sadd.s32 $0x100, s17  }
0x162: {  	_ =	sdelay $0x2  }
0x163: {  	s15 =	sadd.s32 $0x80, s15;
	v6 =	vshll.u32 v5, $0x10  }
0x164: {  	v5 =	vand.u32 $0xFFFF0000, v5;
	[tilespmem:s15+$0xFFFFFFC0] =	vst v6  }
0x165: {  	[tilespmem:s15+$0x0] =	vst v5  }
0x166: {  	v5 =	vld [tilespmem:s16+$0xBE90];
	_ =	sdelay $0x4  }
0x167: {  	v6 =	vshll.u32 v5, $0x10  }
0x168: {  	v5 =	vand.u32 $0xFFFF0000, v5;
	[tilespmem:s15+$0xFFFFFFD0] =	vst v6  }
0x169: {  	[tilespmem:s15+$0x10] =	vst v5  }
0x16a: {  	v5 =	vld [tilespmem:s16+$0xBEA0];
	_ =	sdelay $0x4  }
0x16b: {  	v6 =	vand.u32 $0xFFFF0000, v5  }
0x16c: {  	v5 =	vshll.u32 v5, $0x10;
	[tilespmem:s15+$0x20] =	vst v6  }
0x16d: {  	[tilespmem:s15+$0xFFFFFFE0] =	vst v5  }
0x16e: {  	v5 =	vld [tilespmem:s16+$0xBEB0];
	_ =	sdelay $0x4  }
0x16f: {  	v6 =	vshll.u32 v5, $0x10  }
0x170: {  	v5 =	vand.u32 $0xFFFF0000, v5;
	[tilespmem:s15+$0xFFFFFFF0] =	vst v6  }
0x171: {  	[tilespmem:s15+$0x30] =	vst v5  }
0x172: {  	v5 =	vld [tilespmem:s14+$0x4F60];
	_ =	sdelay $0x4  }
0x173: {  	[tilespmem:$0x9E40] =	vst v5  }
0x174: {  	v5 =	vld [tilespmem:s14+$0x4F70];
	_ =	sdelay $0x4  }
0x175: {  	[tilespmem:$0x9E50] =	vst v5  }
0x176: {  	v5 =	vld [tilespmem:s14+$0x4F80];
	_ =	sdelay $0x4  }
0x177: {  	[tilespmem:$0x9E60] =	vst v5  }
0x178: {  	v5 =	vld [tilespmem:s14+$0x4F90];
	_ =	sdelay $0x2  }
0x179: {  	s13 =	sadd.s32 $0x5, s13  }
0x17a: {  	p0 =	slt.s32 s13, s10  }
0x17b: {  	s12 =	sadd.s32 $0x1, s12;
	s13 =	sshll.u32 @p0 s13, $0x8;
	[tilespmem:$0x9E70] =	vst v5  }
0x17c: {  	[spmem:s3] =	stream.indirect.scatter.add.f32 [tilespmem:s7], [sflag:$0x6], $0x80, s6, s25, $0xb8;
	[tilespmem:$0x1EE80] =	vst v63  }
0x17d: {  	s13 =	sshra.s32 @p0 s13, $0x2;
	s15 =	simm.s32 @p0 $0xBE80;
	s14 =	simm.s32 @p0 $0x40  }
0x17e: {  	[tilespmem:s15], [sflag:$0x3] =	stream.indirect.gather @p0 [hbm4b:s0+s14], $0x40, s13, s14, $0xb8;
	[tilespmem:$0x1EE80] =	vst v63  }
0x17f: {  	p0 =	sne.s32 s12, s11  }
.Ltmp9:
0x180: {  	_ = 	snop;
	(pc) =	sbr.rel @p0 .LBB2_9-.Ltmp9, $4  }
.Ltmp10:
0x181: {  	_ = 	snop;
	(pc) =	sbr.rel @!p0 .LBB2_16-.Ltmp10, $4  }
0x182: {  	_ = 	snop  }
0x183: {  	_ = 	snop  }
0x184: {  	_ = 	snop  }
0x185: {  	_ = 	snop  }
.LBB2_17:
0x186: {  	_ =	sfence.sel $0x180000  }
0x187: {  	[bflag:$0x0] =	sbarrier.arrive $0xFFFF  }
0x188: {  	_ =	strace $0x90000047  }
0x189: {  	s0 =	stileid.u32;
	[bflag:$0x2] =	sbarrier.arrive $0xFFFF  }
0x18a: {  	p0 =	sne.s32 s0, $0x0;
	s0 =	rddreg [dreg:$0x3]  }
0x18b: {  	s0 =	sadd.s32 @!p0 $0x100000, s0  }
0x18c: {  	[sflag:s0] =	ssyncadd.tile.s32 @!p0 $0x1;
	_ =	shalt  }
.Lfunc_end2:
_tile_overlayer_lowered:
.L_overlay_start_2:
0x18d: {  	(tag) =	ssettag $0x2  }
0x18e: {  	s0 =	rddreg [dreg:$0x0];
	s2 =	stileid.u32  }
0x18f: {  	s1 =	rddreg [dreg:$0x1];
	p0 =	sne.s32 s2, $0x0  }
0x190: {  	s3 =	rddreg [dreg:$0x2];
	[bflag:$0x3] =	sbarrier.arrive $0xFFFF;
	s2 =	simm.s32 @!p0 $0x1C07  }
0x191: {  	[timem:s3], [sflag:s2] =	dma.local @!p0 [hbm:s0], s1  }
0x192: {  	s0 =	simm.s32 @!p0 $0x7  }
0x193: {  	_ =	swait.ge @!p0 [sflag:s0], s1  }
0x194: {  	s1 =	ssub.s32 @!p0 $0x0, s1;
	[sflag:s0] =	ssyncset.done @!p0 $0x0  }
0x195: {  	[sflag:s0] =	ssyncadd.s32 @!p0 s1  }
0x196: {  	[bflag:$0x3] =	sbarrier.arrive $0xFFFF  }
0x197: {  	_ =	shalt  }

</sc_bundles>
